<compile_context>
chip_gen: v7x
topology: tpu7x:2x2x1
jax: 0.10.2.dev20260603
libtpu: 0.0.44.dev20260713+nightly
codegen_flags: <defaults>
</compile_context>

<pallas_src>
import functools

import jax
import jax.numpy as jnp
from jax import lax
from jax.experimental import pallas as pl
from jax.experimental.pallas import tpu as pltpu
from jax.experimental.pallas import tpu_sc as plsc

NC = 2
NS = 16
NW = NC * NS
LANES = 16

ROW_F = 26
M_ROWS = 1024 * 7 * 7
ROWS_PER = M_ROWS // NW
ELEMS_PER = ROWS_PER * ROW_F
GROUPS = ROWS_PER // LANES
LIST_PAD = ROWS_PER + 2 * LANES

GRID_LEN = 448.0 / 7.0
HALF_IMG = 0.5 * 448.0


def _sqrt_nr(s):
    bits = lax.bitcast_convert_type(s, jnp.int32)
    y = lax.bitcast_convert_type(jnp.int32(0x5F3759DF) - (bits >> 1), jnp.float32)
    for _ in range(3):
        y = y * (1.5 - 0.5 * s * y * y)
    return s * y


def _box_edges(x, y, w, h):
    xc = x * GRID_LEN
    yc = y * GRID_LEN
    wh = w * HALF_IMG
    hh = h * HALF_IMG
    return xc - wh, xc + wh, yc - hh, yc + hh


def _stage1_body(pred_hbm, tgt_hbm, summ_hbm, pred_v, tgt_v, c_list, g_list, g_shift, summ_v):
    cid = lax.axis_index("c")
    sid = lax.axis_index("s")
    wid = sid * NC + cid
    base = wid * ELEMS_PER
    pltpu.sync_copy(pred_hbm.at[pl.ds(base, ELEMS_PER)], pred_v)
    pltpu.sync_copy(tgt_hbm.at[pl.ds(base, ELEMS_PER)], tgt_v)

    iota = lax.iota(jnp.int32, LANES)

    def group(j, carry):
        ptr, acc = carry
        off = iota * ROW_F + j * (LANES * ROW_F)

        def gp(f):
            return plsc.load_gather(pred_v, [off + f])

        def gt(f):
            return plsc.load_gather(tgt_v, [off + f])

        p0x, p0y, p0w, p0h, p0c = gp(0), gp(1), gp(2), gp(3), gp(4)
        p1x, p1y, p1w, p1h, p1c = gp(5), gp(6), gp(7), gp(8), gp(9)
        t0x, t0y, t0w, t0h, t0c = gt(0), gt(1), gt(2), gt(3), gt(4)
        t1x, t1y, t1w, t1h, t1c = gt(5), gt(6), gt(7), gt(8), gt(9)

        def iou(px, py, pw, ph, tx, ty, tw, th):
            pxn, pxx, pyn, pyx = _box_edges(px, py, pw, ph)
            txn, txx, tyn, tyx = _box_edges(tx, ty, tw, th)
            iw = jnp.maximum(jnp.minimum(pxx, txx) - jnp.maximum(pxn, txn), 0.0)
            ih = jnp.maximum(jnp.minimum(pyx, tyx) - jnp.maximum(pyn, tyn), 0.0)
            ai = iw * ih
            a1 = jnp.maximum(pxx - pxn, 0.0) * jnp.maximum(pyx - pyn, 0.0)
            a2 = jnp.maximum(txx - txn, 0.0) * jnp.maximum(tyx - tyn, 0.0)
            return ai / (a1 + a2 - ai + 1e-6)

        iou0 = iou(p0x, p0y, p0w, p0h, t0x, t0y, t0w, t0h)
        iou1 = iou(p1x, p1y, p1w, p1h, t1x, t1y, t1w, t1h)

        sel = iou1 > iou0
        miou = jnp.maximum(iou0, iou1)
        rpx = jnp.where(sel, p1x, p0x)
        rpy = jnp.where(sel, p1y, p0y)
        rpw = jnp.where(sel, p1w, p0w)
        rph = jnp.where(sel, p1h, p0h)
        rpc = jnp.where(sel, p1c, p0c)
        rtx = jnp.where(sel, t1x, t0x)
        rty = jnp.where(sel, t1y, t0y)
        rtw = jnp.where(sel, t1w, t0w)
        rth = jnp.where(sel, t1h, t0h)

        conf = t0c
        activeb = conf > 0.0
        cm = jnp.where(activeb, 1.0, 0.0)

        dx = rpx - rtx
        dy = rpy - rty
        loc = dx * dx + dy * dy
        loc = loc + rpw + rtw - 2.0 * _sqrt_nr(rpw * rtw)
        loc = loc + rph + rth - 2.0 * _sqrt_nr(rph * rth)

        dc = rpc - miou
        confl = dc * dc
        own = jnp.where(sel, p0c * p0c, 0.0)
        gterm = jnp.where(sel, 0.0, 1.0)
        cvec = p1c * p1c

        dno = p0c - t0c
        noobj = dno * dno

        cls_sum = jnp.zeros((LANES,), jnp.float32)
        for k in range(16):
            dk = gp(10 + k) - gt(10 + k)
            cls_sum = cls_sum + dk * dk

        acc = acc + cm * (5.0 * loc + confl + own + cls_sum) \
                  + 0.5 * ((1.0 - cm) * noobj)

        pos = plsc.cumsum(cm).astype(jnp.int32)
        idxc = pos - 1 + ptr
        plsc.store_scatter(c_list, [idxc], cvec, mask=activeb)
        plsc.store_scatter(g_list, [idxc], gterm, mask=activeb)
        idxs = idxc - 1
        plsc.store_scatter(g_shift, [idxs], gterm, mask=activeb & (idxs >= 0))
        ptr = ptr + jnp.max(pos)
        return ptr, acc

    ptr, acc = lax.fori_loop(
        0, GROUPS, group, (jnp.int32(0), jnp.zeros((LANES,), jnp.float32)))
    partial = jnp.sum(acc)

    K = ptr
    nblk = (K + 14) >> 4

    def pairblk(b, pacc):
        cv = c_list[pl.ds(b * LANES, LANES)]
        gv = g_shift[pl.ds(b * LANES, LANES)]
        jv = b * LANES + iota
        return pacc + jnp.where(jv < K - 1, cv * gv, 0.0)

    pacc = lax.fori_loop(0, nblk, pairblk, jnp.zeros((LANES,), jnp.float32))
    partial = partial + jnp.sum(pacc)

    has = jnp.where(K > 0, 1.0, 0.0)
    first_g = g_list[pl.ds(0, LANES)][0]
    last_c = c_list[pl.ds(jnp.maximum(K - 1, 0), LANES)][0]
    summ_v[...] = jnp.where(
        iota == 0, partial,
        jnp.where(iota == 1, has,
                  jnp.where(iota == 2, first_g,
                            jnp.where(iota == 3, last_c, 0.0))))
    pltpu.sync_copy(summ_v, summ_hbm.at[wid])


def _stage2_body(summ_hbm, out_hbm, all_v, out_v):
    cid = lax.axis_index("c")
    sid = lax.axis_index("s")
    wid = sid * NC + cid

    @pl.when(wid == 0)
    def _():
        pltpu.sync_copy(summ_hbm, all_v)

        def link(w, carry):
            total, seen, firstg, lastc = carry
            row = all_v[w]
            p = row[0]
            has = row[1]
            fg = row[2]
            lc = row[3]
            total = total + p + has * seen * lastc * fg
            firstg = firstg + (1.0 - seen) * has * fg
            lastc = lastc + has * (lc - lastc)
            seen = jnp.maximum(seen, has)
            return total, seen, firstg, lastc

        total, seen, firstg, lastc = lax.fori_loop(
            0, NW, link,
            (jnp.float32(0.0), jnp.float32(0.0), jnp.float32(0.0), jnp.float32(0.0)))
        total = (total + seen * lastc * firstg) * (1.0 / 1024.0)
        iota = lax.iota(jnp.int32, LANES)
        out_v[...] = jnp.where(iota == 0, total, 0.0)
        pltpu.sync_copy(out_v, out_hbm)


_stage1 = functools.partial(
    pl.kernel,
    out_type=jax.ShapeDtypeStruct((NW, LANES), jnp.float32),
    mesh=plsc.VectorSubcoreMesh(core_axis_name="c", subcore_axis_name="s"),
    scratch_types=[
        pltpu.VMEM((ELEMS_PER,), jnp.float32),
        pltpu.VMEM((ELEMS_PER,), jnp.float32),
        pltpu.VMEM((LIST_PAD,), jnp.float32),
        pltpu.VMEM((LIST_PAD,), jnp.float32),
        pltpu.VMEM((LIST_PAD,), jnp.float32),
        pltpu.VMEM((LANES,), jnp.float32),
    ],
    compiler_params=pltpu.CompilerParams(needs_layout_passes=False),
)(_stage1_body)

_stage2 = functools.partial(
    pl.kernel,
    out_type=jax.ShapeDtypeStruct((LANES,), jnp.float32),
    mesh=plsc.VectorSubcoreMesh(core_axis_name="c", subcore_axis_name="s"),
    scratch_types=[
        pltpu.VMEM((NW, LANES), jnp.float32),
        pltpu.VMEM((LANES,), jnp.float32),
    ],
    compiler_params=pltpu.CompilerParams(needs_layout_passes=False),
)(_stage2_body)


def kernel(pred_tensor, target_tensor):
    fp = pred_tensor.reshape(-1)
    ft = target_tensor.reshape(-1)
    summ = _stage1(fp, ft)
    out = _stage2(summ)
    return out[0]

# --- scband reference (transcript-rebuilt; emitter-appended) ---
"""Pipeline reference for scband-yolo-loss-new-90709709291828 (READ-ONLY COPY).

The authoritative reference and input builder live on the scoring server;
editing this copy changes nothing except your own understanding.
"""

import jax, jax.numpy as jnp
import numpy as np

TRAIN_IMAGE_SIZE = 448.0
GRID_NUM = 7.0
NUM_B = 2
S = 7
C = 16
L_COORD = 5.0
L_NOOBJ = 0.5
LEN_VEC = NUM_B * 5 + C  # 26


def setup_inputs(seed: int = 0):
    key = jax.random.key(seed)
    k1, k2 = jax.random.split(key)
    pred_tensor = jax.random.uniform(k1, (1024, S, S, LEN_VEC), dtype=jnp.float32)
    target_tensor = jax.random.uniform(k2, (1024, S, S, LEN_VEC), dtype=jnp.float32)
    return {"pred_tensor": pred_tensor, "target_tensor": target_tensor}


def _box_minmax(b):
    grid_len = TRAIN_IMAGE_SIZE / GRID_NUM
    mn = b[:, 0:2] * grid_len - 0.5 * TRAIN_IMAGE_SIZE * b[:, 2:4]
    mx = b[:, 0:2] * grid_len + 0.5 * TRAIN_IMAGE_SIZE * b[:, 2:4]
    return mn, mx


def _area(mn, mx):
    w = jnp.maximum(mx[:, 0] - mn[:, 0], 0.0)
    h = jnp.maximum(mx[:, 1] - mn[:, 1], 0.0)
    return w * h


def reference(pred_tensor, target_tensor):
    num_batch = target_tensor.shape[0]
    fp = pred_tensor.reshape(-1, LEN_VEC)
    ft = target_tensor.reshape(-1, LEN_VEC)
    M = fp.shape[0]
    conf = ft[:, 4]
    noobj_mask = (conf == 0).astype(jnp.float32)
    con_mask = conf > 0
    cm = con_mask.astype(jnp.float32)
    p_flat = fp[:, :10].reshape(-1, 5)
    t_flat = ft[:, :10].reshape(-1, 5)
    b1mn, b1mx = _box_minmax(p_flat)
    b2mn, b2mx = _box_minmax(t_flat)
    imn = jnp.maximum(b1mn, b2mn)
    imx = jnp.minimum(b1mx, b2mx)
    a1 = _area(b1mn, b1mx)
    a2 = _area(b2mn, b2mx)
    ai = _area(imn, imx)
    iou = ai / (a1 + a2 - ai + 1e-06)
    iou2 = iou.reshape(-1, 2)
    max_idx = jnp.argmax(iou2, axis=1)
    max_iou = jnp.take_along_axis(iou2, max_idx[:, None], axis=1)[:, 0]
    p_boxes = p_flat.reshape(-1, 2, 5)
    t_boxes = t_flat.reshape(-1, 2, 5)
    rp = jnp.take_along_axis(p_boxes, max_idx[:, None, None], axis=1)[:, 0, :]
    rt = jnp.take_along_axis(t_boxes, max_idx[:, None, None], axis=1)[:, 0, :]
    loc_loss = jnp.sum(cm[:, None] * (rp[:, 0:2] - rt[:, 0:2]) ** 2)
    loc_loss = loc_loss + jnp.sum(cm[:, None] * (jnp.sqrt(rp[:, 2:4]) - jnp.sqrt(rt[:, 2:4])) ** 2)
    conf_loss = jnp.sum(cm * (rp[:, 4] - max_iou) ** 2)
    pos = jnp.arange(M)
    v = jnp.where(con_mask, pos, M)
    next_incl = jnp.flip(jax.lax.cummin(jnp.flip(v)))
    next_strict = jnp.concatenate([next_incl[1:], jnp.full((1,), M, dtype=next_incl.dtype)])
    succ = jnp.where(next_strict >= M, next_incl[0], next_strict)
    succ_maxidx = max_idx[jnp.minimum(succ, M - 1)]
    own_term = jnp.where(max_idx == 1, p_boxes[:, 0, 4] ** 2, 0.0)
    succ_term = jnp.where(succ_maxidx == 0, p_boxes[:, 1, 4] ** 2, 0.0)
    conobj_no_resp_loss = jnp.sum(cm * (own_term + succ_term))
    noobj_loss = jnp.sum(noobj_mask * (fp[:, 4] - ft[:, 4]) ** 2)
    cls_loss = jnp.sum(cm[:, None] * (fp[:, 10:] - ft[:, 10:]) ** 2)
    return (L_COORD * loc_loss + conf_loss + conobj_no_resp_loss + L_NOOBJ * noobj_loss + cls_loss) / num_batch

if __name__ == "__main__":
    import jax
    _d = setup_inputs()
    print(jax.jit(kernel)(*tuple(_d.values())))

</pallas_src>

<mosaic_0001>
#map = affine_map<(d0, d1) -> (0)>
#map1 = affine_map<(d0, d1) -> (0, 0)>
module attributes {stable_mosaic.version = 14 : i64} {
  func.func @_stage1_body(%arg0: i32, %arg1: i32, %arg2: memref<1304576xf32, #tpu.memory_space<hbm>>, %arg3: memref<1304576xf32, #tpu.memory_space<hbm>>, %arg4: memref<32x16xf32, #tpu.memory_space<hbm>>, %arg5: memref<40768xf32, #tpu.memory_space<vmem>>, %arg6: memref<40768xf32, #tpu.memory_space<vmem>>, %arg7: memref<1600xf32, #tpu.memory_space<vmem>>, %arg8: memref<1600xf32, #tpu.memory_space<vmem>>, %arg9: memref<1600xf32, #tpu.memory_space<vmem>>, %arg10: memref<16xf32, #tpu.memory_space<vmem>>) attributes {dimension_semantics = [#tpu.dimension_semantics<core_parallel>, #tpu.dimension_semantics<subcore_parallel>], iteration_bounds = array<i64: 2, 16>, scalar_prefetch = 0 : i64, scratch_operands = 6 : i64, tpu.core_type = #tpu.core_type<sc_vector_subcore>, window_params = [{transform_indices = #map}, {transform_indices = #map}, {transform_indices = #map1}]} {
    %mul3A = arith.constant 2 : i32
    %mul3A_0 = arith.muli %arg1, %mul3A : i32
    %add3A = arith.addi %mul3A_0, %arg0 : i32
    %mul3A_1 = arith.constant 40768 : i32
    %mul3A_2 = arith.muli %add3A, %mul3A_1 : i32
    "tpu.region"() ({
      %run_scoped3A = tpu.sem_alloc : memref<!tpu.dma_semaphore, #tpu.memory_space<semaphore_mem>>
      %dma_start3A = tpu.memref_slice %arg2[%mul3A_2] : memref<1304576xf32, #tpu.memory_space<hbm>> -> memref<40768xf32, #tpu.memory_space<hbm>>
      %dma_start3A_64 = tpu.memref_slice %arg2[%mul3A_2] : memref<1304576xf32, #tpu.memory_space<hbm>> -> memref<40768xf32, #tpu.memory_space<hbm>>
      tpu.enqueue_dma source(%dma_start3A_64 : memref<40768xf32, #tpu.memory_space<hbm>>) target(%arg5 : memref<40768xf32, #tpu.memory_space<vmem>>) target_semaphore(%run_scoped3A : memref<!tpu.dma_semaphore, #tpu.memory_space<semaphore_mem>>)
      %dma_wait3A = tpu.memref_slice %arg2[%mul3A_2] : memref<1304576xf32, #tpu.memory_space<hbm>> -> memref<40768xf32, #tpu.memory_space<hbm>>
      %dma_wait3A_65 = tpu.memref_slice %arg2[%mul3A_2] : memref<1304576xf32, #tpu.memory_space<hbm>> -> memref<40768xf32, #tpu.memory_space<hbm>>
      tpu.wait_dma2 semaphore(%run_scoped3A : memref<!tpu.dma_semaphore, #tpu.memory_space<semaphore_mem>>) src(%dma_wait3A_65 : memref<40768xf32, #tpu.memory_space<hbm>>) dst(%arg5 : memref<40768xf32, #tpu.memory_space<vmem>>)
      tpu.yield
    }) : () -> ()
    "tpu.region"() ({
      %run_scoped3A = tpu.sem_alloc : memref<!tpu.dma_semaphore, #tpu.memory_space<semaphore_mem>>
      %dma_start3A = tpu.memref_slice %arg3[%mul3A_2] : memref<1304576xf32, #tpu.memory_space<hbm>> -> memref<40768xf32, #tpu.memory_space<hbm>>
      %dma_start3A_64 = tpu.memref_slice %arg3[%mul3A_2] : memref<1304576xf32, #tpu.memory_space<hbm>> -> memref<40768xf32, #tpu.memory_space<hbm>>
      tpu.enqueue_dma source(%dma_start3A_64 : memref<40768xf32, #tpu.memory_space<hbm>>) target(%arg6 : memref<40768xf32, #tpu.memory_space<vmem>>) target_semaphore(%run_scoped3A : memref<!tpu.dma_semaphore, #tpu.memory_space<semaphore_mem>>)
      %dma_wait3A = tpu.memref_slice %arg3[%mul3A_2] : memref<1304576xf32, #tpu.memory_space<hbm>> -> memref<40768xf32, #tpu.memory_space<hbm>>
      %dma_wait3A_65 = tpu.memref_slice %arg3[%mul3A_2] : memref<1304576xf32, #tpu.memory_space<hbm>> -> memref<40768xf32, #tpu.memory_space<hbm>>
      tpu.wait_dma2 semaphore(%run_scoped3A : memref<!tpu.dma_semaphore, #tpu.memory_space<semaphore_mem>>) src(%dma_wait3A_65 : memref<40768xf32, #tpu.memory_space<hbm>>) dst(%arg6 : memref<40768xf32, #tpu.memory_space<vmem>>)
      tpu.yield
    }) : () -> ()
    %iota3A = tpu.iota {dimensions = array<i32: 0>} : vector<16xi32>
    %broadcast_in_dim3A = arith.constant 0.000000e+00 : f32
    %broadcast_in_dim3A_3 = vector.broadcast %broadcast_in_dim3A : f32 to vector<16xf32>
    %scan3A = arith.constant 0 : i32
    %scan3A_4 = arith.constant 0 : i32
    %scan3A_5 = arith.constant 98 : i32
    %scan3A_6 = arith.addi %scan3A_4, %scan3A_5 : i32
    %scan3A_7 = arith.constant 1 : i32
    %scan3A_8:2 = scf.for %scan3A_64 = %scan3A_4 to %scan3A_6 step %scan3A_7 iter_args(%scan3A_65 = %scan3A, %scan3A_66 = %broadcast_in_dim3A_3) -> (i32, vector<16xf32>)  : i32 {
      %mul3A_67 = arith.constant 26 : i32
      %mul3A_68 = vector.broadcast %mul3A_67 : i32 to vector<16xi32>
      %mul3A_69 = arith.muli %iota3A, %mul3A_68 : vector<16xi32>
      %mul3A_70 = arith.constant 416 : i32
      %mul3A_71 = arith.muli %scan3A_64, %mul3A_70 : i32
      %add3A_72 = vector.broadcast %mul3A_71 : i32 to vector<16xi32>
      %add3A_73 = arith.addi %mul3A_69, %add3A_72 : vector<16xi32>
      %add3A_74 = arith.constant 0 : i32
      %add3A_75 = vector.broadcast %add3A_74 : i32 to vector<16xi32>
      %add3A_76 = arith.addi %add3A_73, %add3A_75 : vector<16xi32>
      %gather3A = tpu.vector_load_idx %arg5[%add3A_76] : memref<40768xf32, #tpu.memory_space<vmem>>[vector<16xi32>], vector<16xf32>,
      %add3A_77 = arith.constant 1 : i32
      %add3A_78 = vector.broadcast %add3A_77 : i32 to vector<16xi32>
      %add3A_79 = arith.addi %add3A_73, %add3A_78 : vector<16xi32>
      %gather3A_80 = tpu.vector_load_idx %arg5[%add3A_79] : memref<40768xf32, #tpu.memory_space<vmem>>[vector<16xi32>], vector<16xf32>,
      %add3A_81 = arith.constant 2 : i32
      %add3A_82 = vector.broadcast %add3A_81 : i32 to vector<16xi32>
      %add3A_83 = arith.addi %add3A_73, %add3A_82 : vector<16xi32>
      %gather3A_84 = tpu.vector_load_idx %arg5[%add3A_83] : memref<40768xf32, #tpu.memory_space<vmem>>[vector<16xi32>], vector<16xf32>,
      %add3A_85 = arith.constant 3 : i32
      %add3A_86 = vector.broadcast %add3A_85 : i32 to vector<16xi32>
      %add3A_87 = arith.addi %add3A_73, %add3A_86 : vector<16xi32>
      %gather3A_88 = tpu.vector_load_idx %arg5[%add3A_87] : memref<40768xf32, #tpu.memory_space<vmem>>[vector<16xi32>], vector<16xf32>,
      %add3A_89 = arith.constant 4 : i32
      %add3A_90 = vector.broadcast %add3A_89 : i32 to vector<16xi32>
      %add3A_91 = arith.addi %add3A_73, %add3A_90 : vector<16xi32>
      %gather3A_92 = tpu.vector_load_idx %arg5[%add3A_91] : memref<40768xf32, #tpu.memory_space<vmem>>[vector<16xi32>], vector<16xf32>,
      %add3A_93 = arith.constant 5 : i32
      %add3A_94 = vector.broadcast %add3A_93 : i32 to vector<16xi32>
      %add3A_95 = arith.addi %add3A_73, %add3A_94 : vector<16xi32>
      %gather3A_96 = tpu.vector_load_idx %arg5[%add3A_95] : memref<40768xf32, #tpu.memory_space<vmem>>[vector<16xi32>], vector<16xf32>,
      %add3A_97 = arith.constant 6 : i32
      %add3A_98 = vector.broadcast %add3A_97 : i32 to vector<16xi32>
      %add3A_99 = arith.addi %add3A_73, %add3A_98 : vector<16xi32>
      %gather3A_100 = tpu.vector_load_idx %arg5[%add3A_99] : memref<40768xf32, #tpu.memory_space<vmem>>[vector<16xi32>], vector<16xf32>,
      %add3A_101 = arith.constant 7 : i32
      %add3A_102 = vector.broadcast %add3A_101 : i32 to vector<16xi32>
      %add3A_103 = arith.addi %add3A_73, %add3A_102 : vector<16xi32>
      %gather3A_104 = tpu.vector_load_idx %arg5[%add3A_103] : memref<40768xf32, #tpu.memory_space<vmem>>[vector<16xi32>], vector<16xf32>,
      %add3A_105 = arith.constant 8 : i32
      %add3A_106 = vector.broadcast %add3A_105 : i32 to vector<16xi32>
      %add3A_107 = arith.addi %add3A_73, %add3A_106 : vector<16xi32>
      %gather3A_108 = tpu.vector_load_idx %arg5[%add3A_107] : memref<40768xf32, #tpu.memory_space<vmem>>[vector<16xi32>], vector<16xf32>,
      %add3A_109 = arith.constant 9 : i32
      %add3A_110 = vector.broadcast %add3A_109 : i32 to vector<16xi32>
      %add3A_111 = arith.addi %add3A_73, %add3A_110 : vector<16xi32>
      %gather3A_112 = tpu.vector_load_idx %arg5[%add3A_111] : memref<40768xf32, #tpu.memory_space<vmem>>[vector<16xi32>], vector<16xf32>,
      %add3A_113 = arith.constant 0 : i32
      %add3A_114 = vector.broadcast %add3A_113 : i32 to vector<16xi32>
      %add3A_115 = arith.addi %add3A_73, %add3A_114 : vector<16xi32>
      %gather3A_116 = tpu.vector_load_idx %arg6[%add3A_115] : memref<40768xf32, #tpu.memory_space<vmem>>[vector<16xi32>], vector<16xf32>,
      %add3A_117 = arith.constant 1 : i32
      %add3A_118 = vector.broadcast %add3A_117 : i32 to vector<16xi32>
      %add3A_119 = arith.addi %add3A_73, %add3A_118 : vector<16xi32>
      %gather3A_120 = tpu.vector_load_idx %arg6[%add3A_119] : memref<40768xf32, #tpu.memory_space<vmem>>[vector<16xi32>], vector<16xf32>,
      %add3A_121 = arith.constant 2 : i32
      %add3A_122 = vector.broadcast %add3A_121 : i32 to vector<16xi32>
      %add3A_123 = arith.addi %add3A_73, %add3A_122 : vector<16xi32>
      %gather3A_124 = tpu.vector_load_idx %arg6[%add3A_123] : memref<40768xf32, #tpu.memory_space<vmem>>[vector<16xi32>], vector<16xf32>,
      %add3A_125 = arith.constant 3 : i32
      %add3A_126 = vector.broadcast %add3A_125 : i32 to vector<16xi32>
      %add3A_127 = arith.addi %add3A_73, %add3A_126 : vector<16xi32>
      %gather3A_128 = tpu.vector_load_idx %arg6[%add3A_127] : memref<40768xf32, #tpu.memory_space<vmem>>[vector<16xi32>], vector<16xf32>,
      %add3A_129 = arith.constant 4 : i32
      %add3A_130 = vector.broadcast %add3A_129 : i32 to vector<16xi32>
      %add3A_131 = arith.addi %add3A_73, %add3A_130 : vector<16xi32>
      %gather3A_132 = tpu.vector_load_idx %arg6[%add3A_131] : memref<40768xf32, #tpu.memory_space<vmem>>[vector<16xi32>], vector<16xf32>,
      %add3A_133 = arith.constant 5 : i32
      %add3A_134 = vector.broadcast %add3A_133 : i32 to vector<16xi32>
      %add3A_135 = arith.addi %add3A_73, %add3A_134 : vector<16xi32>
      %gather3A_136 = tpu.vector_load_idx %arg6[%add3A_135] : memref<40768xf32, #tpu.memory_space<vmem>>[vector<16xi32>], vector<16xf32>,
      %add3A_137 = arith.constant 6 : i32
      %add3A_138 = vector.broadcast %add3A_137 : i32 to vector<16xi32>
      %add3A_139 = arith.addi %add3A_73, %add3A_138 : vector<16xi32>
      %gather3A_140 = tpu.vector_load_idx %arg6[%add3A_139] : memref<40768xf32, #tpu.memory_space<vmem>>[vector<16xi32>], vector<16xf32>,
      %add3A_141 = arith.constant 7 : i32
      %add3A_142 = vector.broadcast %add3A_141 : i32 to vector<16xi32>
      %add3A_143 = arith.addi %add3A_73, %add3A_142 : vector<16xi32>
      %gather3A_144 = tpu.vector_load_idx %arg6[%add3A_143] : memref<40768xf32, #tpu.memory_space<vmem>>[vector<16xi32>], vector<16xf32>,
      %add3A_145 = arith.constant 8 : i32
      %add3A_146 = vector.broadcast %add3A_145 : i32 to vector<16xi32>
      %add3A_147 = arith.addi %add3A_73, %add3A_146 : vector<16xi32>
      %gather3A_148 = tpu.vector_load_idx %arg6[%add3A_147] : memref<40768xf32, #tpu.memory_space<vmem>>[vector<16xi32>], vector<16xf32>,
      %add3A_149 = arith.constant 9 : i32
      %add3A_150 = vector.broadcast %add3A_149 : i32 to vector<16xi32>
      %add3A_151 = arith.addi %add3A_73, %add3A_150 : vector<16xi32>
      %gather3A_152 = tpu.vector_load_idx %arg6[%add3A_151] : memref<40768xf32, #tpu.memory_space<vmem>>[vector<16xi32>], vector<16xf32>,
      %mul3A_153 = arith.constant 6.400000e+01 : f32
      %mul3A_154 = vector.broadcast %mul3A_153 : f32 to vector<16xf32>
      %mul3A_155 = arith.mulf %gather3A, %mul3A_154 : vector<16xf32>
      %mul3A_156 = arith.constant 6.400000e+01 : f32
      %mul3A_157 = vector.broadcast %mul3A_156 : f32 to vector<16xf32>
      %mul3A_158 = arith.mulf %gather3A_80, %mul3A_157 : vector<16xf32>
      %mul3A_159 = arith.constant 2.240000e+02 : f32
      %mul3A_160 = vector.broadcast %mul3A_159 : f32 to vector<16xf32>
      %mul3A_161 = arith.mulf %gather3A_84, %mul3A_160 : vector<16xf32>
      %mul3A_162 = arith.constant 2.240000e+02 : f32
      %mul3A_163 = vector.broadcast %mul3A_162 : f32 to vector<16xf32>
      %mul3A_164 = arith.mulf %gather3A_88, %mul3A_163 : vector<16xf32>
      %sub3A_165 = arith.subf %mul3A_155, %mul3A_161 : vector<16xf32>
      %add3A_166 = arith.addf %mul3A_155, %mul3A_161 : vector<16xf32>
      %sub3A_167 = arith.subf %mul3A_158, %mul3A_164 : vector<16xf32>
      %add3A_168 = arith.addf %mul3A_158, %mul3A_164 : vector<16xf32>
      %mul3A_169 = arith.constant 6.400000e+01 : f32
      %mul3A_170 = vector.broadcast %mul3A_169 : f32 to vector<16xf32>
      %mul3A_171 = arith.mulf %gather3A_116, %mul3A_170 : vector<16xf32>
      %mul3A_172 = arith.constant 6.400000e+01 : f32
      %mul3A_173 = vector.broadcast %mul3A_172 : f32 to vector<16xf32>
      %mul3A_174 = arith.mulf %gather3A_120, %mul3A_173 : vector<16xf32>
      %mul3A_175 = arith.constant 2.240000e+02 : f32
      %mul3A_176 = vector.broadcast %mul3A_175 : f32 to vector<16xf32>
      %mul3A_177 = arith.mulf %gather3A_124, %mul3A_176 : vector<16xf32>
      %mul3A_178 = arith.constant 2.240000e+02 : f32
      %mul3A_179 = vector.broadcast %mul3A_178 : f32 to vector<16xf32>
      %mul3A_180 = arith.mulf %gather3A_128, %mul3A_179 : vector<16xf32>
      %sub3A_181 = arith.subf %mul3A_171, %mul3A_177 : vector<16xf32>
      %add3A_182 = arith.addf %mul3A_171, %mul3A_177 : vector<16xf32>
      %sub3A_183 = arith.subf %mul3A_174, %mul3A_180 : vector<16xf32>
      %add3A_184 = arith.addf %mul3A_174, %mul3A_180 : vector<16xf32>
      %min3A = arith.minimumf %add3A_166, %add3A_182 : vector<16xf32>
      %max3A_185 = arith.maximumf %sub3A_165, %sub3A_181 : vector<16xf32>
      %sub3A_186 = arith.subf %min3A, %max3A_185 : vector<16xf32>
      %max3A_187 = arith.constant 0.000000e+00 : f32
      %max3A_188 = vector.broadcast %max3A_187 : f32 to vector<16xf32>
      %max3A_189 = arith.maximumf %sub3A_186, %max3A_188 : vector<16xf32>
      %min3A_190 = arith.minimumf %add3A_168, %add3A_184 : vector<16xf32>
      %max3A_191 = arith.maximumf %sub3A_167, %sub3A_183 : vector<16xf32>
      %sub3A_192 = arith.subf %min3A_190, %max3A_191 : vector<16xf32>
      %max3A_193 = arith.constant 0.000000e+00 : f32
      %max3A_194 = vector.broadcast %max3A_193 : f32 to vector<16xf32>
      %max3A_195 = arith.maximumf %sub3A_192, %max3A_194 : vector<16xf32>
      %mul3A_196 = arith.mulf %max3A_189, %max3A_195 : vector<16xf32>
      %sub3A_197 = arith.subf %add3A_166, %sub3A_165 : vector<16xf32>
      %max3A_198 = arith.constant 0.000000e+00 : f32
      %max3A_199 = vector.broadcast %max3A_198 : f32 to vector<16xf32>
      %max3A_200 = arith.maximumf %sub3A_197, %max3A_199 : vector<16xf32>
      %sub3A_201 = arith.subf %add3A_168, %sub3A_167 : vector<16xf32>
      %max3A_202 = arith.constant 0.000000e+00 : f32
      %max3A_203 = vector.broadcast %max3A_202 : f32 to vector<16xf32>
      %max3A_204 = arith.maximumf %sub3A_201, %max3A_203 : vector<16xf32>
      %mul3A_205 = arith.mulf %max3A_200, %max3A_204 : vector<16xf32>
      %sub3A_206 = arith.subf %add3A_182, %sub3A_181 : vector<16xf32>
      %max3A_207 = arith.constant 0.000000e+00 : f32
      %max3A_208 = vector.broadcast %max3A_207 : f32 to vector<16xf32>
      %max3A_209 = arith.maximumf %sub3A_206, %max3A_208 : vector<16xf32>
      %sub3A_210 = arith.subf %add3A_184, %sub3A_183 : vector<16xf32>
      %max3A_211 = arith.constant 0.000000e+00 : f32
      %max3A_212 = vector.broadcast %max3A_211 : f32 to vector<16xf32>
      %max3A_213 = arith.maximumf %sub3A_210, %max3A_212 : vector<16xf32>
      %mul3A_214 = arith.mulf %max3A_209, %max3A_213 : vector<16xf32>
      %add3A_215 = arith.addf %mul3A_205, %mul3A_214 : vector<16xf32>
      %sub3A_216 = arith.subf %add3A_215, %mul3A_196 : vector<16xf32>
      %add3A_217 = arith.constant 9.99999997E-7 : f32
      %add3A_218 = vector.broadcast %add3A_217 : f32 to vector<16xf32>
      %add3A_219 = arith.addf %sub3A_216, %add3A_218 : vector<16xf32>
      %div3A = arith.divf %mul3A_196, %add3A_219 : vector<16xf32>
      %mul3A_220 = arith.constant 6.400000e+01 : f32
      %mul3A_221 = vector.broadcast %mul3A_220 : f32 to vector<16xf32>
      %mul3A_222 = arith.mulf %gather3A_96, %mul3A_221 : vector<16xf32>
      %mul3A_223 = arith.constant 6.400000e+01 : f32
      %mul3A_224 = vector.broadcast %mul3A_223 : f32 to vector<16xf32>
      %mul3A_225 = arith.mulf %gather3A_100, %mul3A_224 : vector<16xf32>
      %mul3A_226 = arith.constant 2.240000e+02 : f32
      %mul3A_227 = vector.broadcast %mul3A_226 : f32 to vector<16xf32>
      %mul3A_228 = arith.mulf %gather3A_104, %mul3A_227 : vector<16xf32>
      %mul3A_229 = arith.constant 2.240000e+02 : f32
      %mul3A_230 = vector.broadcast %mul3A_229 : f32 to vector<16xf32>
      %mul3A_231 = arith.mulf %gather3A_108, %mul3A_230 : vector<16xf32>
      %sub3A_232 = arith.subf %mul3A_222, %mul3A_228 : vector<16xf32>
      %add3A_233 = arith.addf %mul3A_222, %mul3A_228 : vector<16xf32>
      %sub3A_234 = arith.subf %mul3A_225, %mul3A_231 : vector<16xf32>
      %add3A_235 = arith.addf %mul3A_225, %mul3A_231 : vector<16xf32>
      %mul3A_236 = arith.constant 6.400000e+01 : f32
      %mul3A_237 = vector.broadcast %mul3A_236 : f32 to vector<16xf32>
      %mul3A_238 = arith.mulf %gather3A_136, %mul3A_237 : vector<16xf32>
      %mul3A_239 = arith.constant 6.400000e+01 : f32
      %mul3A_240 = vector.broadcast %mul3A_239 : f32 to vector<16xf32>
      %mul3A_241 = arith.mulf %gather3A_140, %mul3A_240 : vector<16xf32>
      %mul3A_242 = arith.constant 2.240000e+02 : f32
      %mul3A_243 = vector.broadcast %mul3A_242 : f32 to vector<16xf32>
      %mul3A_244 = arith.mulf %gather3A_144, %mul3A_243 : vector<16xf32>
      %mul3A_245 = arith.constant 2.240000e+02 : f32
      %mul3A_246 = vector.broadcast %mul3A_245 : f32 to vector<16xf32>
      %mul3A_247 = arith.mulf %gather3A_148, %mul3A_246 : vector<16xf32>
      %sub3A_248 = arith.subf %mul3A_238, %mul3A_244 : vector<16xf32>
      %add3A_249 = arith.addf %mul3A_238, %mul3A_244 : vector<16xf32>
      %sub3A_250 = arith.subf %mul3A_241, %mul3A_247 : vector<16xf32>
      %add3A_251 = arith.addf %mul3A_241, %mul3A_247 : vector<16xf32>
      %min3A_252 = arith.minimumf %add3A_233, %add3A_249 : vector<16xf32>
      %max3A_253 = arith.maximumf %sub3A_232, %sub3A_248 : vector<16xf32>
      %sub3A_254 = arith.subf %min3A_252, %max3A_253 : vector<16xf32>
      %max3A_255 = arith.constant 0.000000e+00 : f32
      %max3A_256 = vector.broadcast %max3A_255 : f32 to vector<16xf32>
      %max3A_257 = arith.maximumf %sub3A_254, %max3A_256 : vector<16xf32>
      %min3A_258 = arith.minimumf %add3A_235, %add3A_251 : vector<16xf32>
      %max3A_259 = arith.maximumf %sub3A_234, %sub3A_250 : vector<16xf32>
      %sub3A_260 = arith.subf %min3A_258, %max3A_259 : vector<16xf32>
      %max3A_261 = arith.constant 0.000000e+00 : f32
      %max3A_262 = vector.broadcast %max3A_261 : f32 to vector<16xf32>
      %max3A_263 = arith.maximumf %sub3A_260, %max3A_262 : vector<16xf32>
      %mul3A_264 = arith.mulf %max3A_257, %max3A_263 : vector<16xf32>
      %sub3A_265 = arith.subf %add3A_233, %sub3A_232 : vector<16xf32>
      %max3A_266 = arith.constant 0.000000e+00 : f32
      %max3A_267 = vector.broadcast %max3A_266 : f32 to vector<16xf32>
      %max3A_268 = arith.maximumf %sub3A_265, %max3A_267 : vector<16xf32>
      %sub3A_269 = arith.subf %add3A_235, %sub3A_234 : vector<16xf32>
      %max3A_270 = arith.constant 0.000000e+00 : f32
      %max3A_271 = vector.broadcast %max3A_270 : f32 to vector<16xf32>
      %max3A_272 = arith.maximumf %sub3A_269, %max3A_271 : vector<16xf32>
      %mul3A_273 = arith.mulf %max3A_268, %max3A_272 : vector<16xf32>
      %sub3A_274 = arith.subf %add3A_249, %sub3A_248 : vector<16xf32>
      %max3A_275 = arith.constant 0.000000e+00 : f32
      %max3A_276 = vector.broadcast %max3A_275 : f32 to vector<16xf32>
      %max3A_277 = arith.maximumf %sub3A_274, %max3A_276 : vector<16xf32>
      %sub3A_278 = arith.subf %add3A_251, %sub3A_250 : vector<16xf32>
      %max3A_279 = arith.constant 0.000000e+00 : f32
      %max3A_280 = vector.broadcast %max3A_279 : f32 to vector<16xf32>
      %max3A_281 = arith.maximumf %sub3A_278, %max3A_280 : vector<16xf32>
      %mul3A_282 = arith.mulf %max3A_277, %max3A_281 : vector<16xf32>
      %add3A_283 = arith.addf %mul3A_273, %mul3A_282 : vector<16xf32>
      %sub3A_284 = arith.subf %add3A_283, %mul3A_264 : vector<16xf32>
      %add3A_285 = arith.constant 9.99999997E-7 : f32
      %add3A_286 = vector.broadcast %add3A_285 : f32 to vector<16xf32>
      %add3A_287 = arith.addf %sub3A_284, %add3A_286 : vector<16xf32>
      %div3A_288 = arith.divf %mul3A_264, %add3A_287 : vector<16xf32>
      %gt3A_289 = arith.cmpf ogt, %div3A_288, %div3A : vector<16xf32>
      %max3A_290 = arith.maximumf %div3A, %div3A_288 : vector<16xf32>
      %select_n3A_291 = arith.select %gt3A_289, %gather3A_96, %gather3A : vector<16xi1>, vector<16xf32>
      %select_n3A_292 = arith.select %gt3A_289, %gather3A_100, %gather3A_80 : vector<16xi1>, vector<16xf32>
      %select_n3A_293 = arith.select %gt3A_289, %gather3A_104, %gather3A_84 : vector<16xi1>, vector<16xf32>
      %select_n3A_294 = arith.select %gt3A_289, %gather3A_108, %gather3A_88 : vector<16xi1>, vector<16xf32>
      %select_n3A_295 = arith.select %gt3A_289, %gather3A_112, %gather3A_92 : vector<16xi1>, vector<16xf32>
      %select_n3A_296 = arith.select %gt3A_289, %gather3A_136, %gather3A_116 : vector<16xi1>, vector<16xf32>
      %select_n3A_297 = arith.select %gt3A_289, %gather3A_140, %gather3A_120 : vector<16xi1>, vector<16xf32>
      %select_n3A_298 = arith.select %gt3A_289, %gather3A_144, %gather3A_124 : vector<16xi1>, vector<16xf32>
      %select_n3A_299 = arith.select %gt3A_289, %gather3A_148, %gather3A_128 : vector<16xi1>, vector<16xf32>
      %gt3A_300 = arith.constant 0.000000e+00 : f32
      %gt3A_301 = vector.broadcast %gt3A_300 : f32 to vector<16xf32>
      %gt3A_302 = arith.cmpf ogt, %gather3A_132, %gt3A_301 : vector<16xf32>
      %jit3A_303 = arith.constant 1.000000e+00 : f32
      %jit3A_304 = arith.constant 0.000000e+00 : f32
      %broadcast_in_dim3A_305 = vector.broadcast %jit3A_303 : f32 to vector<16xf32>
      %broadcast_in_dim3A_306 = vector.broadcast %jit3A_304 : f32 to vector<16xf32>
      %select_n3A_307 = arith.select %gt3A_302, %broadcast_in_dim3A_305, %broadcast_in_dim3A_306 : vector<16xi1>, vector<16xf32>
      %sub3A_308 = arith.subf %select_n3A_291, %select_n3A_296 : vector<16xf32>
      %sub3A_309 = arith.subf %select_n3A_292, %select_n3A_297 : vector<16xf32>
      %mul3A_310 = arith.mulf %sub3A_308, %sub3A_308 : vector<16xf32>
      %mul3A_311 = arith.mulf %sub3A_309, %sub3A_309 : vector<16xf32>
      %add3A_312 = arith.addf %mul3A_310, %mul3A_311 : vector<16xf32>
      %add3A_313 = arith.addf %add3A_312, %select_n3A_293 : vector<16xf32>
      %add3A_314 = arith.addf %add3A_313, %select_n3A_298 : vector<16xf32>
      %mul3A_315 = arith.mulf %select_n3A_293, %select_n3A_298 : vector<16xf32>
      %bitcast_convert_type3A = tpu.bitcast %mul3A_315 : vector<16xf32> -> vector<16xi32>
      %shift_right_arithmetic3A_316 = arith.constant 1 : i32
      %shift_right_arithmetic3A_317 = vector.broadcast %shift_right_arithmetic3A_316 : i32 to vector<16xi32>
      %shift_right_arithmetic3A_318 = arith.shrsi %bitcast_convert_type3A, %shift_right_arithmetic3A_317 : vector<16xi32>
      %sub3A_319 = arith.constant 1597463007 : i32
      %sub3A_320 = vector.broadcast %sub3A_319 : i32 to vector<16xi32>
      %sub3A_321 = arith.subi %sub3A_320, %shift_right_arithmetic3A_318 : vector<16xi32>
      %bitcast_convert_type3A_322 = tpu.bitcast %sub3A_321 : vector<16xi32> -> vector<16xf32>
      %mul3A_323 = arith.constant 5.000000e-01 : f32
      %mul3A_324 = vector.broadcast %mul3A_323 : f32 to vector<16xf32>
      %mul3A_325 = arith.mulf %mul3A_324, %mul3A_315 : vector<16xf32>
      %mul3A_326 = arith.mulf %mul3A_325, %bitcast_convert_type3A_322 : vector<16xf32>
      %mul3A_327 = arith.mulf %mul3A_326, %bitcast_convert_type3A_322 : vector<16xf32>
      %sub3A_328 = arith.constant 1.500000e+00 : f32
      %sub3A_329 = vector.broadcast %sub3A_328 : f32 to vector<16xf32>
      %sub3A_330 = arith.subf %sub3A_329, %mul3A_327 : vector<16xf32>
      %mul3A_331 = arith.mulf %bitcast_convert_type3A_322, %sub3A_330 : vector<16xf32>
      %mul3A_332 = arith.constant 5.000000e-01 : f32
      %mul3A_333 = vector.broadcast %mul3A_332 : f32 to vector<16xf32>
      %mul3A_334 = arith.mulf %mul3A_333, %mul3A_315 : vector<16xf32>
      %mul3A_335 = arith.mulf %mul3A_334, %mul3A_331 : vector<16xf32>
      %mul3A_336 = arith.mulf %mul3A_335, %mul3A_331 : vector<16xf32>
      %sub3A_337 = arith.constant 1.500000e+00 : f32
      %sub3A_338 = vector.broadcast %sub3A_337 : f32 to vector<16xf32>
      %sub3A_339 = arith.subf %sub3A_338, %mul3A_336 : vector<16xf32>
      %mul3A_340 = arith.mulf %mul3A_331, %sub3A_339 : vector<16xf32>
      %mul3A_341 = arith.constant 5.000000e-01 : f32
      %mul3A_342 = vector.broadcast %mul3A_341 : f32 to vector<16xf32>
      %mul3A_343 = arith.mulf %mul3A_342, %mul3A_315 : vector<16xf32>
      %mul3A_344 = arith.mulf %mul3A_343, %mul3A_340 : vector<16xf32>
      %mul3A_345 = arith.mulf %mul3A_344, %mul3A_340 : vector<16xf32>
      %sub3A_346 = arith.constant 1.500000e+00 : f32
      %sub3A_347 = vector.broadcast %sub3A_346 : f32 to vector<16xf32>
      %sub3A_348 = arith.subf %sub3A_347, %mul3A_345 : vector<16xf32>
      %mul3A_349 = arith.mulf %mul3A_340, %sub3A_348 : vector<16xf32>
      %mul3A_350 = arith.mulf %mul3A_315, %mul3A_349 : vector<16xf32>
      %mul3A_351 = arith.constant 2.000000e+00 : f32
      %mul3A_352 = vector.broadcast %mul3A_351 : f32 to vector<16xf32>
      %mul3A_353 = arith.mulf %mul3A_352, %mul3A_350 : vector<16xf32>
      %sub3A_354 = arith.subf %add3A_314, %mul3A_353 : vector<16xf32>
      %add3A_355 = arith.addf %sub3A_354, %select_n3A_294 : vector<16xf32>
      %add3A_356 = arith.addf %add3A_355, %select_n3A_299 : vector<16xf32>
      %mul3A_357 = arith.mulf %select_n3A_294, %select_n3A_299 : vector<16xf32>
      %bitcast_convert_type3A_358 = tpu.bitcast %mul3A_357 : vector<16xf32> -> vector<16xi32>
      %shift_right_arithmetic3A_359 = arith.constant 1 : i32
      %shift_right_arithmetic3A_360 = vector.broadcast %shift_right_arithmetic3A_359 : i32 to vector<16xi32>
      %shift_right_arithmetic3A_361 = arith.shrsi %bitcast_convert_type3A_358, %shift_right_arithmetic3A_360 : vector<16xi32>
      %sub3A_362 = arith.constant 1597463007 : i32
      %sub3A_363 = vector.broadcast %sub3A_362 : i32 to vector<16xi32>
      %sub3A_364 = arith.subi %sub3A_363, %shift_right_arithmetic3A_361 : vector<16xi32>
      %bitcast_convert_type3A_365 = tpu.bitcast %sub3A_364 : vector<16xi32> -> vector<16xf32>
      %mul3A_366 = arith.constant 5.000000e-01 : f32
      %mul3A_367 = vector.broadcast %mul3A_366 : f32 to vector<16xf32>
      %mul3A_368 = arith.mulf %mul3A_367, %mul3A_357 : vector<16xf32>
      %mul3A_369 = arith.mulf %mul3A_368, %bitcast_convert_type3A_365 : vector<16xf32>
      %mul3A_370 = arith.mulf %mul3A_369, %bitcast_convert_type3A_365 : vector<16xf32>
      %sub3A_371 = arith.constant 1.500000e+00 : f32
      %sub3A_372 = vector.broadcast %sub3A_371 : f32 to vector<16xf32>
      %sub3A_373 = arith.subf %sub3A_372, %mul3A_370 : vector<16xf32>
      %mul3A_374 = arith.mulf %bitcast_convert_type3A_365, %sub3A_373 : vector<16xf32>
      %mul3A_375 = arith.constant 5.000000e-01 : f32
      %mul3A_376 = vector.broadcast %mul3A_375 : f32 to vector<16xf32>
      %mul3A_377 = arith.mulf %mul3A_376, %mul3A_357 : vector<16xf32>
      %mul3A_378 = arith.mulf %mul3A_377, %mul3A_374 : vector<16xf32>
      %mul3A_379 = arith.mulf %mul3A_378, %mul3A_374 : vector<16xf32>
      %sub3A_380 = arith.constant 1.500000e+00 : f32
      %sub3A_381 = vector.broadcast %sub3A_380 : f32 to vector<16xf32>
      %sub3A_382 = arith.subf %sub3A_381, %mul3A_379 : vector<16xf32>
      %mul3A_383 = arith.mulf %mul3A_374, %sub3A_382 : vector<16xf32>
      %mul3A_384 = arith.constant 5.000000e-01 : f32
      %mul3A_385 = vector.broadcast %mul3A_384 : f32 to vector<16xf32>
      %mul3A_386 = arith.mulf %mul3A_385, %mul3A_357 : vector<16xf32>
      %mul3A_387 = arith.mulf %mul3A_386, %mul3A_383 : vector<16xf32>
      %mul3A_388 = arith.mulf %mul3A_387, %mul3A_383 : vector<16xf32>
      %sub3A_389 = arith.constant 1.500000e+00 : f32
      %sub3A_390 = vector.broadcast %sub3A_389 : f32 to vector<16xf32>
      %sub3A_391 = arith.subf %sub3A_390, %mul3A_388 : vector<16xf32>
      %mul3A_392 = arith.mulf %mul3A_383, %sub3A_391 : vector<16xf32>
      %mul3A_393 = arith.mulf %mul3A_357, %mul3A_392 : vector<16xf32>
      %mul3A_394 = arith.constant 2.000000e+00 : f32
      %mul3A_395 = vector.broadcast %mul3A_394 : f32 to vector<16xf32>
      %mul3A_396 = arith.mulf %mul3A_395, %mul3A_393 : vector<16xf32>
      %sub3A_397 = arith.subf %add3A_356, %mul3A_396 : vector<16xf32>
      %sub3A_398 = arith.subf %select_n3A_295, %max3A_290 : vector<16xf32>
      %mul3A_399 = arith.mulf %sub3A_398, %sub3A_398 : vector<16xf32>
      %mul3A_400 = arith.mulf %gather3A_92, %gather3A_92 : vector<16xf32>
      %jit3A_401 = arith.constant 0.000000e+00 : f32
      %broadcast_in_dim3A_402 = vector.broadcast %jit3A_401 : f32 to vector<16xf32>
      %select_n3A_403 = arith.select %gt3A_289, %mul3A_400, %broadcast_in_dim3A_402 : vector<16xi1>, vector<16xf32>
      %jit3A_404 = arith.constant 0.000000e+00 : f32
      %jit3A_405 = arith.constant 1.000000e+00 : f32
      %broadcast_in_dim3A_406 = vector.broadcast %jit3A_404 : f32 to vector<16xf32>
      %broadcast_in_dim3A_407 = vector.broadcast %jit3A_405 : f32 to vector<16xf32>
      %select_n3A_408 = arith.select %gt3A_289, %broadcast_in_dim3A_406, %broadcast_in_dim3A_407 : vector<16xi1>, vector<16xf32>
      %mul3A_409 = arith.mulf %gather3A_112, %gather3A_112 : vector<16xf32>
      %sub3A_410 = arith.subf %gather3A_92, %gather3A_132 : vector<16xf32>
      %mul3A_411 = arith.mulf %sub3A_410, %sub3A_410 : vector<16xf32>
      %broadcast_in_dim3A_412 = arith.constant 0.000000e+00 : f32
      %broadcast_in_dim3A_413 = vector.broadcast %broadcast_in_dim3A_412 : f32 to vector<16xf32>
      %add3A_414 = arith.constant 10 : i32
      %add3A_415 = vector.broadcast %add3A_414 : i32 to vector<16xi32>
      %add3A_416 = arith.addi %add3A_73, %add3A_415 : vector<16xi32>
      %gather3A_417 = tpu.vector_load_idx %arg5[%add3A_416] : memref<40768xf32, #tpu.memory_space<vmem>>[vector<16xi32>], vector<16xf32>,
      %add3A_418 = arith.constant 10 : i32
      %add3A_419 = vector.broadcast %add3A_418 : i32 to vector<16xi32>
      %add3A_420 = arith.addi %add3A_73, %add3A_419 : vector<16xi32>
      %gather3A_421 = tpu.vector_load_idx %arg6[%add3A_420] : memref<40768xf32, #tpu.memory_space<vmem>>[vector<16xi32>], vector<16xf32>,
      %sub3A_422 = arith.subf %gather3A_417, %gather3A_421 : vector<16xf32>
      %mul3A_423 = arith.mulf %sub3A_422, %sub3A_422 : vector<16xf32>
      %add3A_424 = arith.addf %broadcast_in_dim3A_413, %mul3A_423 : vector<16xf32>
      %add3A_425 = arith.constant 11 : i32
      %add3A_426 = vector.broadcast %add3A_425 : i32 to vector<16xi32>
      %add3A_427 = arith.addi %add3A_73, %add3A_426 : vector<16xi32>
      %gather3A_428 = tpu.vector_load_idx %arg5[%add3A_427] : memref<40768xf32, #tpu.memory_space<vmem>>[vector<16xi32>], vector<16xf32>,
      %add3A_429 = arith.constant 11 : i32
      %add3A_430 = vector.broadcast %add3A_429 : i32 to vector<16xi32>
      %add3A_431 = arith.addi %add3A_73, %add3A_430 : vector<16xi32>
      %gather3A_432 = tpu.vector_load_idx %arg6[%add3A_431] : memref<40768xf32, #tpu.memory_space<vmem>>[vector<16xi32>], vector<16xf32>,
      %sub3A_433 = arith.subf %gather3A_428, %gather3A_432 : vector<16xf32>
      %mul3A_434 = arith.mulf %sub3A_433, %sub3A_433 : vector<16xf32>
      %add3A_435 = arith.addf %add3A_424, %mul3A_434 : vector<16xf32>
      %add3A_436 = arith.constant 12 : i32
      %add3A_437 = vector.broadcast %add3A_436 : i32 to vector<16xi32>
      %add3A_438 = arith.addi %add3A_73, %add3A_437 : vector<16xi32>
      %gather3A_439 = tpu.vector_load_idx %arg5[%add3A_438] : memref<40768xf32, #tpu.memory_space<vmem>>[vector<16xi32>], vector<16xf32>,
      %add3A_440 = arith.constant 12 : i32
      %add3A_441 = vector.broadcast %add3A_440 : i32 to vector<16xi32>
      %add3A_442 = arith.addi %add3A_73, %add3A_441 : vector<16xi32>
      %gather3A_443 = tpu.vector_load_idx %arg6[%add3A_442] : memref<40768xf32, #tpu.memory_space<vmem>>[vector<16xi32>], vector<16xf32>,
      %sub3A_444 = arith.subf %gather3A_439, %gather3A_443 : vector<16xf32>
      %mul3A_445 = arith.mulf %sub3A_444, %sub3A_444 : vector<16xf32>
      %add3A_446 = arith.addf %add3A_435, %mul3A_445 : vector<16xf32>
      %add3A_447 = arith.constant 13 : i32
      %add3A_448 = vector.broadcast %add3A_447 : i32 to vector<16xi32>
      %add3A_449 = arith.addi %add3A_73, %add3A_448 : vector<16xi32>
      %gather3A_450 = tpu.vector_load_idx %arg5[%add3A_449] : memref<40768xf32, #tpu.memory_space<vmem>>[vector<16xi32>], vector<16xf32>,
      %add3A_451 = arith.constant 13 : i32
      %add3A_452 = vector.broadcast %add3A_451 : i32 to vector<16xi32>
      %add3A_453 = arith.addi %add3A_73, %add3A_452 : vector<16xi32>
      %gather3A_454 = tpu.vector_load_idx %arg6[%add3A_453] : memref<40768xf32, #tpu.memory_space<vmem>>[vector<16xi32>], vector<16xf32>,
      %sub3A_455 = arith.subf %gather3A_450, %gather3A_454 : vector<16xf32>
      %mul3A_456 = arith.mulf %sub3A_455, %sub3A_455 : vector<16xf32>
      %add3A_457 = arith.addf %add3A_446, %mul3A_456 : vector<16xf32>
      %add3A_458 = arith.constant 14 : i32
      %add3A_459 = vector.broadcast %add3A_458 : i32 to vector<16xi32>
      %add3A_460 = arith.addi %add3A_73, %add3A_459 : vector<16xi32>
      %gather3A_461 = tpu.vector_load_idx %arg5[%add3A_460] : memref<40768xf32, #tpu.memory_space<vmem>>[vector<16xi32>], vector<16xf32>,
      %add3A_462 = arith.constant 14 : i32
      %add3A_463 = vector.broadcast %add3A_462 : i32 to vector<16xi32>
      %add3A_464 = arith.addi %add3A_73, %add3A_463 : vector<16xi32>
      %gather3A_465 = tpu.vector_load_idx %arg6[%add3A_464] : memref<40768xf32, #tpu.memory_space<vmem>>[vector<16xi32>], vector<16xf32>,
      %sub3A_466 = arith.subf %gather3A_461, %gather3A_465 : vector<16xf32>
      %mul3A_467 = arith.mulf %sub3A_466, %sub3A_466 : vector<16xf32>
      %add3A_468 = arith.addf %add3A_457, %mul3A_467 : vector<16xf32>
      %add3A_469 = arith.constant 15 : i32
      %add3A_470 = vector.broadcast %add3A_469 : i32 to vector<16xi32>
      %add3A_471 = arith.addi %add3A_73, %add3A_470 : vector<16xi32>
      %gather3A_472 = tpu.vector_load_idx %arg5[%add3A_471] : memref<40768xf32, #tpu.memory_space<vmem>>[vector<16xi32>], vector<16xf32>,
      %add3A_473 = arith.constant 15 : i32
      %add3A_474 = vector.broadcast %add3A_473 : i32 to vector<16xi32>
      %add3A_475 = arith.addi %add3A_73, %add3A_474 : vector<16xi32>
      %gather3A_476 = tpu.vector_load_idx %arg6[%add3A_475] : memref<40768xf32, #tpu.memory_space<vmem>>[vector<16xi32>], vector<16xf32>,
      %sub3A_477 = arith.subf %gather3A_472, %gather3A_476 : vector<16xf32>
      %mul3A_478 = arith.mulf %sub3A_477, %sub3A_477 : vector<16xf32>
      %add3A_479 = arith.addf %add3A_468, %mul3A_478 : vector<16xf32>
      %add3A_480 = arith.constant 16 : i32
      %add3A_481 = vector.broadcast %add3A_480 : i32 to vector<16xi32>
      %add3A_482 = arith.addi %add3A_73, %add3A_481 : vector<16xi32>
      %gather3A_483 = tpu.vector_load_idx %arg5[%add3A_482] : memref<40768xf32, #tpu.memory_space<vmem>>[vector<16xi32>], vector<16xf32>,
      %add3A_484 = arith.constant 16 : i32
      %add3A_485 = vector.broadcast %add3A_484 : i32 to vector<16xi32>
      %add3A_486 = arith.addi %add3A_73, %add3A_485 : vector<16xi32>
      %gather3A_487 = tpu.vector_load_idx %arg6[%add3A_486] : memref<40768xf32, #tpu.memory_space<vmem>>[vector<16xi32>], vector<16xf32>,
      %sub3A_488 = arith.subf %gather3A_483, %gather3A_487 : vector<16xf32>
      %mul3A_489 = arith.mulf %sub3A_488, %sub3A_488 : vector<16xf32>
      %add3A_490 = arith.addf %add3A_479, %mul3A_489 : vector<16xf32>
      %add3A_491 = arith.constant 17 : i32
      %add3A_492 = vector.broadcast %add3A_491 : i32 to vector<16xi32>
      %add3A_493 = arith.addi %add3A_73, %add3A_492 : vector<16xi32>
      %gather3A_494 = tpu.vector_load_idx %arg5[%add3A_493] : memref<40768xf32, #tpu.memory_space<vmem>>[vector<16xi32>], vector<16xf32>,
      %add3A_495 = arith.constant 17 : i32
      %add3A_496 = vector.broadcast %add3A_495 : i32 to vector<16xi32>
      %add3A_497 = arith.addi %add3A_73, %add3A_496 : vector<16xi32>
      %gather3A_498 = tpu.vector_load_idx %arg6[%add3A_497] : memref<40768xf32, #tpu.memory_space<vmem>>[vector<16xi32>], vector<16xf32>,
      %sub3A_499 = arith.subf %gather3A_494, %gather3A_498 : vector<16xf32>
      %mul3A_500 = arith.mulf %sub3A_499, %sub3A_499 : vector<16xf32>
      %add3A_501 = arith.addf %add3A_490, %mul3A_500 : vector<16xf32>
      %add3A_502 = arith.constant 18 : i32
      %add3A_503 = vector.broadcast %add3A_502 : i32 to vector<16xi32>
      %add3A_504 = arith.addi %add3A_73, %add3A_503 : vector<16xi32>
      %gather3A_505 = tpu.vector_load_idx %arg5[%add3A_504] : memref<40768xf32, #tpu.memory_space<vmem>>[vector<16xi32>], vector<16xf32>,
      %add3A_506 = arith.constant 18 : i32
      %add3A_507 = vector.broadcast %add3A_506 : i32 to vector<16xi32>
      %add3A_508 = arith.addi %add3A_73, %add3A_507 : vector<16xi32>
      %gather3A_509 = tpu.vector_load_idx %arg6[%add3A_508] : memref<40768xf32, #tpu.memory_space<vmem>>[vector<16xi32>], vector<16xf32>,
      %sub3A_510 = arith.subf %gather3A_505, %gather3A_509 : vector<16xf32>
      %mul3A_511 = arith.mulf %sub3A_510, %sub3A_510 : vector<16xf32>
      %add3A_512 = arith.addf %add3A_501, %mul3A_511 : vector<16xf32>
      %add3A_513 = arith.constant 19 : i32
      %add3A_514 = vector.broadcast %add3A_513 : i32 to vector<16xi32>
      %add3A_515 = arith.addi %add3A_73, %add3A_514 : vector<16xi32>
      %gather3A_516 = tpu.vector_load_idx %arg5[%add3A_515] : memref<40768xf32, #tpu.memory_space<vmem>>[vector<16xi32>], vector<16xf32>,
      %add3A_517 = arith.constant 19 : i32
      %add3A_518 = vector.broadcast %add3A_517 : i32 to vector<16xi32>
      %add3A_519 = arith.addi %add3A_73, %add3A_518 : vector<16xi32>
      %gather3A_520 = tpu.vector_load_idx %arg6[%add3A_519] : memref<40768xf32, #tpu.memory_space<vmem>>[vector<16xi32>], vector<16xf32>,
      %sub3A_521 = arith.subf %gather3A_516, %gather3A_520 : vector<16xf32>
      %mul3A_522 = arith.mulf %sub3A_521, %sub3A_521 : vector<16xf32>
      %add3A_523 = arith.addf %add3A_512, %mul3A_522 : vector<16xf32>
      %add3A_524 = arith.constant 20 : i32
      %add3A_525 = vector.broadcast %add3A_524 : i32 to vector<16xi32>
      %add3A_526 = arith.addi %add3A_73, %add3A_525 : vector<16xi32>
      %gather3A_527 = tpu.vector_load_idx %arg5[%add3A_526] : memref<40768xf32, #tpu.memory_space<vmem>>[vector<16xi32>], vector<16xf32>,
      %add3A_528 = arith.constant 20 : i32
      %add3A_529 = vector.broadcast %add3A_528 : i32 to vector<16xi32>
      %add3A_530 = arith.addi %add3A_73, %add3A_529 : vector<16xi32>
      %gather3A_531 = tpu.vector_load_idx %arg6[%add3A_530] : memref<40768xf32, #tpu.memory_space<vmem>>[vector<16xi32>], vector<16xf32>,
      %sub3A_532 = arith.subf %gather3A_527, %gather3A_531 : vector<16xf32>
      %mul3A_533 = arith.mulf %sub3A_532, %sub3A_532 : vector<16xf32>
      %add3A_534 = arith.addf %add3A_523, %mul3A_533 : vector<16xf32>
      %add3A_535 = arith.constant 21 : i32
      %add3A_536 = vector.broadcast %add3A_535 : i32 to vector<16xi32>
      %add3A_537 = arith.addi %add3A_73, %add3A_536 : vector<16xi32>
      %gather3A_538 = tpu.vector_load_idx %arg5[%add3A_537] : memref<40768xf32, #tpu.memory_space<vmem>>[vector<16xi32>], vector<16xf32>,
      %add3A_539 = arith.constant 21 : i32
      %add3A_540 = vector.broadcast %add3A_539 : i32 to vector<16xi32>
      %add3A_541 = arith.addi %add3A_73, %add3A_540 : vector<16xi32>
      %gather3A_542 = tpu.vector_load_idx %arg6[%add3A_541] : memref<40768xf32, #tpu.memory_space<vmem>>[vector<16xi32>], vector<16xf32>,
      %sub3A_543 = arith.subf %gather3A_538, %gather3A_542 : vector<16xf32>
      %mul3A_544 = arith.mulf %sub3A_543, %sub3A_543 : vector<16xf32>
      %add3A_545 = arith.addf %add3A_534, %mul3A_544 : vector<16xf32>
      %add3A_546 = arith.constant 22 : i32
      %add3A_547 = vector.broadcast %add3A_546 : i32 to vector<16xi32>
      %add3A_548 = arith.addi %add3A_73, %add3A_547 : vector<16xi32>
      %gather3A_549 = tpu.vector_load_idx %arg5[%add3A_548] : memref<40768xf32, #tpu.memory_space<vmem>>[vector<16xi32>], vector<16xf32>,
      %add3A_550 = arith.constant 22 : i32
      %add3A_551 = vector.broadcast %add3A_550 : i32 to vector<16xi32>
      %add3A_552 = arith.addi %add3A_73, %add3A_551 : vector<16xi32>
      %gather3A_553 = tpu.vector_load_idx %arg6[%add3A_552] : memref<40768xf32, #tpu.memory_space<vmem>>[vector<16xi32>], vector<16xf32>,
      %sub3A_554 = arith.subf %gather3A_549, %gather3A_553 : vector<16xf32>
      %mul3A_555 = arith.mulf %sub3A_554, %sub3A_554 : vector<16xf32>
      %add3A_556 = arith.addf %add3A_545, %mul3A_555 : vector<16xf32>
      %add3A_557 = arith.constant 23 : i32
      %add3A_558 = vector.broadcast %add3A_557 : i32 to vector<16xi32>
      %add3A_559 = arith.addi %add3A_73, %add3A_558 : vector<16xi32>
      %gather3A_560 = tpu.vector_load_idx %arg5[%add3A_559] : memref<40768xf32, #tpu.memory_space<vmem>>[vector<16xi32>], vector<16xf32>,
      %add3A_561 = arith.constant 23 : i32
      %add3A_562 = vector.broadcast %add3A_561 : i32 to vector<16xi32>
      %add3A_563 = arith.addi %add3A_73, %add3A_562 : vector<16xi32>
      %gather3A_564 = tpu.vector_load_idx %arg6[%add3A_563] : memref<40768xf32, #tpu.memory_space<vmem>>[vector<16xi32>], vector<16xf32>,
      %sub3A_565 = arith.subf %gather3A_560, %gather3A_564 : vector<16xf32>
      %mul3A_566 = arith.mulf %sub3A_565, %sub3A_565 : vector<16xf32>
      %add3A_567 = arith.addf %add3A_556, %mul3A_566 : vector<16xf32>
      %add3A_568 = arith.constant 24 : i32
      %add3A_569 = vector.broadcast %add3A_568 : i32 to vector<16xi32>
      %add3A_570 = arith.addi %add3A_73, %add3A_569 : vector<16xi32>
      %gather3A_571 = tpu.vector_load_idx %arg5[%add3A_570] : memref<40768xf32, #tpu.memory_space<vmem>>[vector<16xi32>], vector<16xf32>,
      %add3A_572 = arith.constant 24 : i32
      %add3A_573 = vector.broadcast %add3A_572 : i32 to vector<16xi32>
      %add3A_574 = arith.addi %add3A_73, %add3A_573 : vector<16xi32>
      %gather3A_575 = tpu.vector_load_idx %arg6[%add3A_574] : memref<40768xf32, #tpu.memory_space<vmem>>[vector<16xi32>], vector<16xf32>,
      %sub3A_576 = arith.subf %gather3A_571, %gather3A_575 : vector<16xf32>
      %mul3A_577 = arith.mulf %sub3A_576, %sub3A_576 : vector<16xf32>
      %add3A_578 = arith.addf %add3A_567, %mul3A_577 : vector<16xf32>
      %add3A_579 = arith.constant 25 : i32
      %add3A_580 = vector.broadcast %add3A_579 : i32 to vector<16xi32>
      %add3A_581 = arith.addi %add3A_73, %add3A_580 : vector<16xi32>
      %gather3A_582 = tpu.vector_load_idx %arg5[%add3A_581] : memref<40768xf32, #tpu.memory_space<vmem>>[vector<16xi32>], vector<16xf32>,
      %add3A_583 = arith.constant 25 : i32
      %add3A_584 = vector.broadcast %add3A_583 : i32 to vector<16xi32>
      %add3A_585 = arith.addi %add3A_73, %add3A_584 : vector<16xi32>
      %gather3A_586 = tpu.vector_load_idx %arg6[%add3A_585] : memref<40768xf32, #tpu.memory_space<vmem>>[vector<16xi32>], vector<16xf32>,
      %sub3A_587 = arith.subf %gather3A_582, %gather3A_586 : vector<16xf32>
      %mul3A_588 = arith.mulf %sub3A_587, %sub3A_587 : vector<16xf32>
      %add3A_589 = arith.addf %add3A_578, %mul3A_588 : vector<16xf32>
      %mul3A_590 = arith.constant 5.000000e+00 : f32
      %mul3A_591 = vector.broadcast %mul3A_590 : f32 to vector<16xf32>
      %mul3A_592 = arith.mulf %mul3A_591, %sub3A_397 : vector<16xf32>
      %add3A_593 = arith.addf %mul3A_592, %mul3A_399 : vector<16xf32>
      %add3A_594 = arith.addf %add3A_593, %select_n3A_403 : vector<16xf32>
      %add3A_595 = arith.addf %add3A_594, %add3A_589 : vector<16xf32>
      %mul3A_596 = arith.mulf %select_n3A_307, %add3A_595 : vector<16xf32>
      %add3A_597 = arith.addf %scan3A_66, %mul3A_596 : vector<16xf32>
      %sub3A_598 = arith.constant 1.000000e+00 : f32
      %sub3A_599 = vector.broadcast %sub3A_598 : f32 to vector<16xf32>
      %sub3A_600 = arith.subf %sub3A_599, %select_n3A_307 : vector<16xf32>
      %mul3A_601 = arith.mulf %sub3A_600, %mul3A_411 : vector<16xf32>
      %mul3A_602 = arith.constant 5.000000e-01 : f32
      %mul3A_603 = vector.broadcast %mul3A_602 : f32 to vector<16xf32>
      %mul3A_604 = arith.mulf %mul3A_603, %mul3A_601 : vector<16xf32>
      %add3A_605 = arith.addf %add3A_597, %mul3A_604 : vector<16xf32>
      %broadcast_in_dim3A_606 = arith.constant true
      %broadcast_in_dim3A_607 = vector.broadcast %broadcast_in_dim3A_606 : i1 to vector<16xi1>
      %masked_cumsum3A = tpu.scan <sum>, %select_n3A_307 masked %broadcast_in_dim3A_607 : vector<16xf32>, vector<16xi1> -> vector<16xf32>
      %convert_element_type3A = arith.fptosi %masked_cumsum3A : vector<16xf32> to vector<16xi32>
      %sub3A_608 = arith.constant 1 : i32
      %sub3A_609 = vector.broadcast %sub3A_608 : i32 to vector<16xi32>
      %sub3A_610 = arith.subi %convert_element_type3A, %sub3A_609 : vector<16xi32>
      %add3A_611 = vector.broadcast %scan3A_65 : i32 to vector<16xi32>
      %add3A_612 = arith.addi %sub3A_610, %add3A_611 : vector<16xi32>
      tpu.vector_store_idx %arg7[%add3A_612], %mul3A_409 masked %gt3A_302 : memref<1600xf32, #tpu.memory_space<vmem>>[vector<16xi32>], vector<16xf32>, vector<16xi1>
      tpu.vector_store_idx %arg8[%add3A_612], %select_n3A_408 masked %gt3A_302 : memref<1600xf32, #tpu.memory_space<vmem>>[vector<16xi32>], vector<16xf32>, vector<16xi1>
      %sub3A_613 = arith.constant 1 : i32
      %sub3A_614 = vector.broadcast %sub3A_613 : i32 to vector<16xi32>
      %sub3A_615 = arith.subi %add3A_612, %sub3A_614 : vector<16xi32>
      %ge3A = arith.constant 0 : i32
      %ge3A_616 = vector.broadcast %ge3A : i32 to vector<16xi32>
      %ge3A_617 = arith.cmpi sge, %sub3A_615, %ge3A_616 : vector<16xi32>
      %and3A = arith.andi %gt3A_302, %ge3A_617 : vector<16xi1>
      tpu.vector_store_idx %arg9[%sub3A_615], %select_n3A_408 masked %and3A : memref<1600xf32, #tpu.memory_space<vmem>>[vector<16xi32>], vector<16xf32>, vector<16xi1>
      %reduce_max3A = arith.constant true
      %reduce_max3A_618 = vector.broadcast %reduce_max3A : i1 to vector<16xi1>
      %reduce_max3A_619 = arith.constant -2147483648 : i32
      %reduce_max3A_620 = vector.broadcast %reduce_max3A_619 : i32 to vector<16xi32>
      %reduce_max3A_621 = arith.xori %convert_element_type3A, %reduce_max3A_620 : vector<16xi32>
      %reduce_max3A_622 = tpu.scan <max>, %reduce_max3A_621 masked %reduce_max3A_618 : vector<16xi32>, vector<16xi1> -> vector<16xi32>
      %reduce_max3A_623 = arith.xori %reduce_max3A_622, %reduce_max3A_620 : vector<16xi32>
      %reduce_max3A_624 = vector.extract %reduce_max3A_623[15] : i32 from vector<16xi32>
      %add3A_625 = arith.addi %scan3A_65, %reduce_max3A_624 : i32
      scf.yield %add3A_625, %add3A_605 : i32, vector<16xf32>
    }
    %scan3A_9 = arith.constant 98 : i32
    %reduce_sum3A = arith.constant true
    %reduce_sum3A_10 = vector.broadcast %reduce_sum3A : i1 to vector<16xi1>
    %reduce_sum3A_11 = tpu.scan <sum>, %scan3A_8#1 masked %reduce_sum3A_10 : vector<16xf32>, vector<16xi1> -> vector<16xf32>
    %reduce_sum3A_12 = vector.extract %reduce_sum3A_11[15] : f32 from vector<16xf32>
    %add3A_13 = arith.constant 14 : i32
    %add3A_14 = arith.addi %scan3A_8#0, %add3A_13 : i32
    %shift_right_arithmetic3A = arith.constant 4 : i32
    %shift_right_arithmetic3A_15 = arith.shrsi %add3A_14, %shift_right_arithmetic3A : i32
    %broadcast_in_dim3A_16 = arith.constant 0.000000e+00 : f32
    %broadcast_in_dim3A_17 = vector.broadcast %broadcast_in_dim3A_16 : f32 to vector<16xf32>
    %while3A = arith.constant 0 : i32
    %while3A_18 = arith.subi %shift_right_arithmetic3A_15, %while3A : i32
    %while3A_19 = arith.addi %while3A, %while3A_18 : i32
    %while3A_20 = arith.constant 1 : i32
    %while3A_21 = arith.divsi %while3A_18, %while3A_20 : i32
    %while3A_22 = arith.muli %while3A_21, %while3A_20 : i32
    %while3A_23 = arith.addi %while3A, %while3A_22 : i32
    %while3A_24 = arith.constant 1 : i32
    %while3A_25 = scf.for %while3A_64 = %while3A to %while3A_23 step %while3A_24 iter_args(%while3A_65 = %broadcast_in_dim3A_17) -> (vector<16xf32>)  : i32 {
      %mul3A_66 = arith.constant 16 : i32
      %mul3A_67 = arith.muli %while3A_64, %mul3A_66 : i32
      %get3A_68 = arith.index_cast %mul3A_67 : i32 to index
      %get3A_69 = tpu.vector_load %arg7[%get3A_68] {strides = array<i32>} : memref<1600xf32, #tpu.memory_space<vmem>>, vector<16xf32>,
      %mul3A_70 = arith.constant 16 : i32
      %mul3A_71 = arith.muli %while3A_64, %mul3A_70 : i32
      %get3A_72 = arith.index_cast %mul3A_71 : i32 to index
      %get3A_73 = tpu.vector_load %arg9[%get3A_72] {strides = array<i32>} : memref<1600xf32, #tpu.memory_space<vmem>>, vector<16xf32>,
      %mul3A_74 = arith.constant 16 : i32
      %mul3A_75 = arith.muli %while3A_64, %mul3A_74 : i32
      %add3A_76 = vector.broadcast %mul3A_75 : i32 to vector<16xi32>
      %add3A_77 = arith.addi %add3A_76, %iota3A : vector<16xi32>
      %sub3A_78 = arith.constant 1 : i32
      %sub3A_79 = arith.subi %scan3A_8#0, %sub3A_78 : i32
      %lt3A = vector.broadcast %sub3A_79 : i32 to vector<16xi32>
      %lt3A_80 = arith.cmpi slt, %add3A_77, %lt3A : vector<16xi32>
      %mul3A_81 = arith.mulf %get3A_69, %get3A_73 : vector<16xf32>
      %jit3A_82 = arith.constant 0.000000e+00 : f32
      %broadcast_in_dim3A_83 = vector.broadcast %jit3A_82 : f32 to vector<16xf32>
      %select_n3A_84 = arith.select %lt3A_80, %mul3A_81, %broadcast_in_dim3A_83 : vector<16xi1>, vector<16xf32>
      %add3A_85 = arith.addf %while3A_65, %select_n3A_84 : vector<16xf32>
      scf.yield %add3A_85 : vector<16xf32>
    }
    %while3A_26 = arith.constant 1 : i32
    %while3A_27 = scf.for %while3A_64 = %while3A_23 to %while3A_19 step %while3A_26 iter_args(%while3A_65 = %while3A_25) -> (vector<16xf32>)  : i32 {
      %mul3A_66 = arith.constant 16 : i32
      %mul3A_67 = arith.muli %while3A_64, %mul3A_66 : i32
      %get3A_68 = arith.index_cast %mul3A_67 : i32 to index
      %get3A_69 = tpu.vector_load %arg7[%get3A_68] {strides = array<i32>} : memref<1600xf32, #tpu.memory_space<vmem>>, vector<16xf32>,
      %mul3A_70 = arith.constant 16 : i32
      %mul3A_71 = arith.muli %while3A_64, %mul3A_70 : i32
      %get3A_72 = arith.index_cast %mul3A_71 : i32 to index
      %get3A_73 = tpu.vector_load %arg9[%get3A_72] {strides = array<i32>} : memref<1600xf32, #tpu.memory_space<vmem>>, vector<16xf32>,
      %mul3A_74 = arith.constant 16 : i32
      %mul3A_75 = arith.muli %while3A_64, %mul3A_74 : i32
      %add3A_76 = vector.broadcast %mul3A_75 : i32 to vector<16xi32>
      %add3A_77 = arith.addi %add3A_76, %iota3A : vector<16xi32>
      %sub3A_78 = arith.constant 1 : i32
      %sub3A_79 = arith.subi %scan3A_8#0, %sub3A_78 : i32
      %lt3A = vector.broadcast %sub3A_79 : i32 to vector<16xi32>
      %lt3A_80 = arith.cmpi slt, %add3A_77, %lt3A : vector<16xi32>
      %mul3A_81 = arith.mulf %get3A_69, %get3A_73 : vector<16xf32>
      %jit3A_82 = arith.constant 0.000000e+00 : f32
      %broadcast_in_dim3A_83 = vector.broadcast %jit3A_82 : f32 to vector<16xf32>
      %select_n3A_84 = arith.select %lt3A_80, %mul3A_81, %broadcast_in_dim3A_83 : vector<16xi1>, vector<16xf32>
      %add3A_85 = arith.addf %while3A_65, %select_n3A_84 : vector<16xf32>
      scf.yield %add3A_85 : vector<16xf32>
    }
    %reduce_sum3A_28 = arith.constant true
    %reduce_sum3A_29 = vector.broadcast %reduce_sum3A_28 : i1 to vector<16xi1>
    %reduce_sum3A_30 = tpu.scan <sum>, %while3A_27 masked %reduce_sum3A_29 : vector<16xf32>, vector<16xi1> -> vector<16xf32>
    %reduce_sum3A_31 = vector.extract %reduce_sum3A_30[15] : f32 from vector<16xf32>
    %add3A_32 = arith.addf %reduce_sum3A_12, %reduce_sum3A_31 : f32
    %gt3A = arith.constant 0 : i32
    %gt3A_33 = arith.cmpi sgt, %scan3A_8#0, %gt3A : i32
    %jit3A = arith.constant 1.000000e+00 : f32
    %jit3A_34 = arith.constant 0.000000e+00 : f32
    %select_n3A = arith.select %gt3A_33, %jit3A, %jit3A_34 : f32
    %get3A = arith.constant 0 : index
    %get3A_35 = tpu.vector_load %arg8[%get3A] {strides = array<i32>} : memref<1600xf32, #tpu.memory_space<vmem>>, vector<16xf32>,
    %slice3A = vector.extract_strided_slice %get3A_35 {offsets = [0], sizes = [1], strides = [1]} : vector<16xf32> to vector<1xf32>
    %squeeze3A = vector.extract %slice3A[0] : f32 from vector<1xf32>
    %sub3A = arith.constant 1 : i32
    %sub3A_36 = arith.subi %scan3A_8#0, %sub3A : i32
    %max3A = arith.constant 0 : i32
    %max3A_37 = arith.maxsi %sub3A_36, %max3A : i32
    %get3A_38 = arith.index_cast %max3A_37 : i32 to index
    %get3A_39 = tpu.vector_load %arg7[%get3A_38] {strides = array<i32>} : memref<1600xf32, #tpu.memory_space<vmem>>, vector<16xf32>,
    %slice3A_40 = vector.extract_strided_slice %get3A_39 {offsets = [0], sizes = [1], strides = [1]} : vector<16xf32> to vector<1xf32>
    %squeeze3A_41 = vector.extract %slice3A_40[0] : f32 from vector<1xf32>
    %eq3A = arith.constant 0 : i32
    %eq3A_42 = vector.broadcast %eq3A : i32 to vector<16xi32>
    %eq3A_43 = arith.cmpi eq, %iota3A, %eq3A_42 : vector<16xi32>
    %eq3A_44 = arith.constant 1 : i32
    %eq3A_45 = vector.broadcast %eq3A_44 : i32 to vector<16xi32>
    %eq3A_46 = arith.cmpi eq, %iota3A, %eq3A_45 : vector<16xi32>
    %eq3A_47 = arith.constant 2 : i32
    %eq3A_48 = vector.broadcast %eq3A_47 : i32 to vector<16xi32>
    %eq3A_49 = arith.cmpi eq, %iota3A, %eq3A_48 : vector<16xi32>
    %eq3A_50 = arith.constant 3 : i32
    %eq3A_51 = vector.broadcast %eq3A_50 : i32 to vector<16xi32>
    %eq3A_52 = arith.cmpi eq, %iota3A, %eq3A_51 : vector<16xi32>
    %jit3A_53 = arith.constant 0.000000e+00 : f32
    %broadcast_in_dim3A_54 = vector.broadcast %squeeze3A_41 : f32 to vector<16xf32>
    %broadcast_in_dim3A_55 = vector.broadcast %jit3A_53 : f32 to vector<16xf32>
    %select_n3A_56 = arith.select %eq3A_52, %broadcast_in_dim3A_54, %broadcast_in_dim3A_55 : vector<16xi1>, vector<16xf32>
    %broadcast_in_dim3A_57 = vector.broadcast %squeeze3A : f32 to vector<16xf32>
    %select_n3A_58 = arith.select %eq3A_49, %broadcast_in_dim3A_57, %select_n3A_56 : vector<16xi1>, vector<16xf32>
    %broadcast_in_dim3A_59 = vector.broadcast %select_n3A : f32 to vector<16xf32>
    %select_n3A_60 = arith.select %eq3A_46, %broadcast_in_dim3A_59, %select_n3A_58 : vector<16xi1>, vector<16xf32>
    %broadcast_in_dim3A_61 = vector.broadcast %add3A_32 : f32 to vector<16xf32>
    %select_n3A_62 = arith.select %eq3A_43, %broadcast_in_dim3A_61, %select_n3A_60 : vector<16xi1>, vector<16xf32>
    %swap3A = arith.constant 0 : index
    %swap3A_63 = tpu.vector_load %arg10[%swap3A] {strides = array<i32>} : memref<16xf32, #tpu.memory_space<vmem>>, vector<16xf32>,
    tpu.vector_store %arg10[%swap3A], %select_n3A_62 {strides = array<i32>} : memref<16xf32, #tpu.memory_space<vmem>>, vector<16xf32>,
    "tpu.region"() ({
      %run_scoped3A = tpu.sem_alloc : memref<!tpu.dma_semaphore, #tpu.memory_space<semaphore_mem>>
      %dma_start3A = arith.constant 0 : i32
      %dma_start3A_64 = tpu.memref_slice %arg4[%add3A, %dma_start3A] : memref<32x16xf32, #tpu.memory_space<hbm>> -> memref<1x16xf32, #tpu.memory_space<hbm>>
      %dma_start3A_65 = tpu.memref_squeeze %dma_start3A_64 : memref<1x16xf32, #tpu.memory_space<hbm>> -> memref<16xf32, #tpu.memory_space<hbm>>
      %dma_start3A_66 = arith.constant 0 : i32
      %dma_start3A_67 = tpu.memref_slice %arg4[%add3A, %dma_start3A_66] : memref<32x16xf32, #tpu.memory_space<hbm>> -> memref<1x16xf32, #tpu.memory_space<hbm>>
      %dma_start3A_68 = tpu.memref_squeeze %dma_start3A_67 : memref<1x16xf32, #tpu.memory_space<hbm>> -> memref<16xf32, #tpu.memory_space<hbm>>
      tpu.enqueue_dma source(%arg10 : memref<16xf32, #tpu.memory_space<vmem>>) target(%dma_start3A_68 : memref<16xf32, #tpu.memory_space<hbm>>) target_semaphore(%run_scoped3A : memref<!tpu.dma_semaphore, #tpu.memory_space<semaphore_mem>>)
      %dma_wait3A = arith.constant 0 : i32
      %dma_wait3A_69 = tpu.memref_slice %arg4[%add3A, %dma_wait3A] : memref<32x16xf32, #tpu.memory_space<hbm>> -> memref<1x16xf32, #tpu.memory_space<hbm>>
      %dma_wait3A_70 = tpu.memref_squeeze %dma_wait3A_69 : memref<1x16xf32, #tpu.memory_space<hbm>> -> memref<16xf32, #tpu.memory_space<hbm>>
      %dma_wait3A_71 = arith.constant 0 : i32
      %dma_wait3A_72 = tpu.memref_slice %arg4[%add3A, %dma_wait3A_71] : memref<32x16xf32, #tpu.memory_space<hbm>> -> memref<1x16xf32, #tpu.memory_space<hbm>>
      %dma_wait3A_73 = tpu.memref_squeeze %dma_wait3A_72 : memref<1x16xf32, #tpu.memory_space<hbm>> -> memref<16xf32, #tpu.memory_space<hbm>>
      tpu.wait_dma2 semaphore(%run_scoped3A : memref<!tpu.dma_semaphore, #tpu.memory_space<semaphore_mem>>) src(%arg10 : memref<16xf32, #tpu.memory_space<vmem>>) dst(%dma_wait3A_73 : memref<16xf32, #tpu.memory_space<hbm>>)
      tpu.yield
    }) : () -> ()
    return
  }
}

#map = affine_map<(d0, d1) -> (0, 0)>
#map1 = affine_map<(d0, d1) -> (0)>
module attributes {stable_mosaic.version = 14 : i64} {
  func.func @_stage2_body(%arg0: i32, %arg1: i32, %arg2: memref<32x16xf32, #tpu.memory_space<hbm>>, %arg3: memref<16xf32, #tpu.memory_space<hbm>>, %arg4: memref<32x16xf32, #tpu.memory_space<vmem>>, %arg5: memref<16xf32, #tpu.memory_space<vmem>>) attributes {dimension_semantics = [#tpu.dimension_semantics<core_parallel>, #tpu.dimension_semantics<subcore_parallel>], iteration_bounds = array<i64: 2, 16>, scalar_prefetch = 0 : i64, scratch_operands = 2 : i64, tpu.core_type = #tpu.core_type<sc_vector_subcore>, window_params = [{transform_indices = #map}, {transform_indices = #map1}]} {
    %mul3A = arith.constant 2 : i32
    %mul3A_0 = arith.muli %arg1, %mul3A : i32
    %add3A = arith.addi %mul3A_0, %arg0 : i32
    %eq3A = arith.constant 0 : i32
    %eq3A_1 = arith.cmpi eq, %add3A, %eq3A : i32
    %convert_element_type3A = arith.extui %eq3A_1 : i1 to i32
    %cond3A = arith.constant 0 : i32
    %cond3A_2 = arith.cmpi ne, %convert_element_type3A, %cond3A : i32
    scf.if %cond3A_2 {
      "tpu.region"() ({
        %run_scoped3A = tpu.sem_alloc : memref<!tpu.dma_semaphore, #tpu.memory_space<semaphore_mem>>
        tpu.enqueue_dma source(%arg2 : memref<32x16xf32, #tpu.memory_space<hbm>>) target(%arg4 : memref<32x16xf32, #tpu.memory_space<vmem>>) target_semaphore(%run_scoped3A : memref<!tpu.dma_semaphore, #tpu.memory_space<semaphore_mem>>)
        tpu.wait_dma2 semaphore(%run_scoped3A : memref<!tpu.dma_semaphore, #tpu.memory_space<semaphore_mem>>) src(%arg2 : memref<32x16xf32, #tpu.memory_space<hbm>>) dst(%arg4 : memref<32x16xf32, #tpu.memory_space<vmem>>)
        tpu.yield
      }) : () -> ()
      %scan3A = arith.constant 0.000000e+00 : f32
      %scan3A_3 = arith.constant 0.000000e+00 : f32
      %scan3A_4 = arith.constant 0.000000e+00 : f32
      %scan3A_5 = arith.constant 0.000000e+00 : f32
      %scan3A_6 = arith.constant 0 : i32
      %scan3A_7 = arith.constant 32 : i32
      %scan3A_8 = arith.addi %scan3A_6, %scan3A_7 : i32
      %scan3A_9 = arith.constant 1 : i32
      %scan3A_10:4 = scf.for %scan3A_22 = %scan3A_6 to %scan3A_8 step %scan3A_9 iter_args(%scan3A_23 = %scan3A, %scan3A_24 = %scan3A_3, %scan3A_25 = %scan3A_4, %scan3A_26 = %scan3A_5) -> (f32, f32, f32, f32)  : i32 {
        %get3A = arith.index_cast %scan3A_22 : i32 to index
        %get3A_27 = arith.constant 0 : index
        %get3A_28 = tpu.vector_load %arg4[%get3A, %get3A_27] {strides = array<i32>} : memref<32x16xf32, #tpu.memory_space<vmem>>, vector<16xf32>,
        %slice3A = vector.extract_strided_slice %get3A_28 {offsets = [0], sizes = [1], strides = [1]} : vector<16xf32> to vector<1xf32>
        %squeeze3A = vector.extract %slice3A[0] : f32 from vector<1xf32>
        %slice3A_29 = vector.extract_strided_slice %get3A_28 {offsets = [1], sizes = [1], strides = [1]} : vector<16xf32> to vector<1xf32>
        %squeeze3A_30 = vector.extract %slice3A_29[0] : f32 from vector<1xf32>
        %slice3A_31 = vector.extract_strided_slice %get3A_28 {offsets = [2], sizes = [1], strides = [1]} : vector<16xf32> to vector<1xf32>
        %squeeze3A_32 = vector.extract %slice3A_31[0] : f32 from vector<1xf32>
        %slice3A_33 = vector.extract_strided_slice %get3A_28 {offsets = [3], sizes = [1], strides = [1]} : vector<16xf32> to vector<1xf32>
        %squeeze3A_34 = vector.extract %slice3A_33[0] : f32 from vector<1xf32>
        %add3A_35 = arith.addf %scan3A_23, %squeeze3A : f32
        %mul3A_36 = arith.mulf %squeeze3A_30, %scan3A_24 : f32
        %mul3A_37 = arith.mulf %mul3A_36, %scan3A_26 : f32
        %mul3A_38 = arith.mulf %mul3A_37, %squeeze3A_32 : f32
        %add3A_39 = arith.addf %add3A_35, %mul3A_38 : f32
        %sub3A = arith.constant 1.000000e+00 : f32
        %sub3A_40 = arith.subf %sub3A, %scan3A_24 : f32
        %mul3A_41 = arith.mulf %sub3A_40, %squeeze3A_30 : f32
        %mul3A_42 = arith.mulf %mul3A_41, %squeeze3A_32 : f32
        %add3A_43 = arith.addf %scan3A_25, %mul3A_42 : f32
        %sub3A_44 = arith.subf %squeeze3A_34, %scan3A_26 : f32
        %mul3A_45 = arith.mulf %squeeze3A_30, %sub3A_44 : f32
        %add3A_46 = arith.addf %scan3A_26, %mul3A_45 : f32
        %max3A = arith.maximumf %scan3A_24, %squeeze3A_30 : f32
        scf.yield %add3A_39, %max3A, %add3A_43, %add3A_46 : f32, f32, f32, f32
      }
      %scan3A_11 = arith.constant 32 : i32
      %mul3A_12 = arith.mulf %scan3A_10#1, %scan3A_10#3 : f32
      %mul3A_13 = arith.mulf %mul3A_12, %scan3A_10#2 : f32
      %add3A_14 = arith.addf %scan3A_10#0, %mul3A_13 : f32
      %mul3A_15 = arith.constant 9.765625E-4 : f32
      %mul3A_16 = arith.mulf %add3A_14, %mul3A_15 : f32
      %iota3A = tpu.iota {dimensions = array<i32: 0>} : vector<16xi32>
      %eq3A_17 = arith.constant 0 : i32
      %eq3A_18 = vector.broadcast %eq3A_17 : i32 to vector<16xi32>
      %eq3A_19 = arith.cmpi eq, %iota3A, %eq3A_18 : vector<16xi32>
      %jit3A = arith.constant 0.000000e+00 : f32
      %broadcast_in_dim3A = vector.broadcast %mul3A_16 : f32 to vector<16xf32>
      %broadcast_in_dim3A_20 = vector.broadcast %jit3A : f32 to vector<16xf32>
      %select_n3A = arith.select %eq3A_19, %broadcast_in_dim3A, %broadcast_in_dim3A_20 : vector<16xi1>, vector<16xf32>
      %swap3A = arith.constant 0 : index
      %swap3A_21 = tpu.vector_load %arg5[%swap3A] {strides = array<i32>} : memref<16xf32, #tpu.memory_space<vmem>>, vector<16xf32>,
      tpu.vector_store %arg5[%swap3A], %select_n3A {strides = array<i32>} : memref<16xf32, #tpu.memory_space<vmem>>, vector<16xf32>,
      "tpu.region"() ({
        %run_scoped3A = tpu.sem_alloc : memref<!tpu.dma_semaphore, #tpu.memory_space<semaphore_mem>>
        tpu.enqueue_dma source(%arg5 : memref<16xf32, #tpu.memory_space<vmem>>) target(%arg3 : memref<16xf32, #tpu.memory_space<hbm>>) target_semaphore(%run_scoped3A : memref<!tpu.dma_semaphore, #tpu.memory_space<semaphore_mem>>)
        tpu.wait_dma2 semaphore(%run_scoped3A : memref<!tpu.dma_semaphore, #tpu.memory_space<semaphore_mem>>) src(%arg5 : memref<16xf32, #tpu.memory_space<vmem>>) dst(%arg3 : memref<16xf32, #tpu.memory_space<hbm>>)
        tpu.yield
      }) : () -> ()
    } else {
    }
    return
  }
}

</mosaic_0001>

<sc_bundles>
// kernel: kernel.4.cloned.1.call-start
scs
__scs_entry_jumppad:
0x0: {  	(pc) =	sbr.rel $0x88, $3  }
0x1: {  	(tag) =	ssettag $0x0;
	lr =	simm.s32 $0x1  }
0x2: {  	[smem:$0x3F9F] =	sst lr;
	_ =	strace $0xD0000000  }
0x3: {  	_ = 	snop  }
0x4: {  	_ = 	snop  }
0x5: {  	_ = 	snop  }
0x6: {  	_ = 	snop  }
0x7: {  	_ = 	snop  }
__scs_overlays_trampoline_lowered:
0x8: {  	[smem:$0x3FAE] =	sst s0  }
0x9: {  	[smem:$0x3FAF] =	sst s1  }
0xa: {  	[smem:$0x3FB0] =	sst s2  }
0xb: {  	[smem:$0x3FB1] =	sst s3  }
0xc: {  	[smem:$0x3FB2] =	sst s4  }
0xd: {  	[smem:$0x3FB3] =	sst s5  }
0xe: {  	[smem:$0x3FB4] =	sst s6  }
0xf: {  	[smem:$0x3FB5] =	sst s7  }
0x10: {  	[smem:$0x3FB6] =	sst s8  }
0x11: {  	[smem:$0x3FB7] =	sst s9;
	s0 =	simm.s32 @!p0 $0x0  }
0x12: {  	s1 =	sld [smem:$0x3F9D];
	s0 =	simm.s32 @p0 $0x1  }
0x13: {  	[smem:$0x3FB8] =	sst s0;
	s0 =	simm.s32 @!p1 $0x0  }
0x14: {  	s2 =	sld [smem:$0x3F9C];
	s0 =	simm.s32 @p1 $0x1  }
0x15: {  	[smem:$0x3FB9] =	sst s0;
	s0 =	simm.s32 @!p2 $0x0  }
0x16: {  	s3 =	sld [smem:$0x3FDB];
	s0 =	simm.s32 @p2 $0x1  }
0x17: {  	s4 =	simm.s32 $0x1BF5;
	[smem:$0x3FBB] =	sst s0  }
0x18: {  	s0 =	sld [smem:$0x3F9E];
	_ =	swait.ge [sflag:s4], $0x0  }
0x19: {  	s7 =	sld [smem:$0x3F9F]  }
0x1a: {  	s8 =	sadd.s32 $0xFFFFE003, lr  }
0x1b: {  	s9 =	sadd.s32 $0xFFFFFEF7, lr;
	s5 =	simm.s32 $0xFFFFFFFF;
	p2 =	slt.u32 s8, $0xFFFFF086  }
0x1c: {  	p1 =	slt.u32 s9, $0xF7A;
	s5 =	simm.s32 @!p2 $0x0  }
0x1d: {  	s5 =	simm.s32 @p1 $0x1;
	p0 =	seq.s32 s7, s2  }
0x1e: {  	s7 =	smul.u32 @!p0 $0xF7A, s2;
	p2 =	seq.s32 @!p0 s5, $0x0  }
0x1f: {  	s9 =	smul.u32 $0xF7A, s1;
	s8 =	simm.s32 @!p0 $0x1BF5;
	p2 =	por !p2, p0  }
0x20: {  	[sflag:s8] =	ssyncset.s32 @!p0 $0xFFFFF086;
	s6 =	sadd.s32 @!p0 s3, s7;
	s7 =	simm.s32 @!p0 $0x108  }
0x21: {  	s3 =	sadd.s32 s3, s9;
	s6 =	sadd.s32 @!p0 $0x88, s6;
	s7 =	simm.s32 @p2 $0x1082  }
0x22: {  	[simem:s7], [sflag:s8] =	dma.local @!p0 [hbm:s6], $0xF7A  }
0x23: {  	s9 =	sor.u32 $0xD0000000, s2;
	s6 =	simm.s32 $0x108;
	_ =	swait.ge @!p0 [sflag:s8], $0x0  }
0x24: {  	s3 =	sadd.s32 $0x88, s3;
	s6 =	simm.s32 @!p1 $0x1082;
	[sflag:s4] =	ssyncset.s32 $0xFFFFF086  }
0x25: {  	[simem:s6], [sflag:s4] =	dma.local [hbm:s3], $0xF7A  }
0x26: {  	[smem:$0x3F9F] =	sst s1;
	(tag) =	ssettag s2;
	_ =	strace s9  }
0x27: {  	s1 =	sld [smem:$0x3FAF]  }
0x28: {  	s2 =	sld [smem:$0x3FB0]  }
0x29: {  	s4 =	sld [smem:$0x3FB2]  }
0x2a: {  	p0 =	seq.s32 s5, $0x0;
	s5 =	sld [smem:$0x3FB3]  }
0x2b: {  	s6 =	sld [smem:$0x3FB4]  }
0x2c: {  	s7 =	sld [smem:$0x3FB5]  }
0x2d: {  	s3 =	simm.s32 $0x108;
	s8 =	sld [smem:$0x3FB6]  }
0x2e: {  	s3 =	simm.s32 @!p0 $0x1082;
	s9 =	sld [smem:$0x3FB7]  }
0x2f: {  	lr =	sadd.s32 s0, s3;
	s0 =	sld [smem:$0x3FAE]  }
0x30: {  	s3 =	sld [smem:$0x3FB1]  }
0x31: {  	[smem:$0x3FBA] =	sst s10  }
0x32: {  	s10 =	sld [smem:$0x3FB8];
	_ =	sdelay $0x3  }
0x33: {  	p0 =	seq.s32 s10, $0x1;
	s10 =	sld [smem:$0x3FBA];
	_ =	sdelay $0x3  }
0x34: {  	[smem:$0x3FBA] =	sst s10  }
0x35: {  	s10 =	sld [smem:$0x3FB9];
	_ =	sdelay $0x3  }
0x36: {  	p1 =	seq.s32 s10, $0x1;
	s10 =	sld [smem:$0x3FBA];
	_ =	sdelay $0x3  }
0x37: {  	[smem:$0x3FBA] =	sst s10  }
0x38: {  	s10 =	sld [smem:$0x3FBB]  }
0x39: {  	_ = 	snop;
	(pc) =	sbr.ind lr, $3  }
0x3a: {  	_ = 	snop  }
0x3b: {  	_ = 	snop  }
0x3c: {  	p2 =	seq.s32 s10, $0x1;
	s10 =	sld [smem:$0x3FBA]  }
0x3d: {  	_ =	shalt  }
0x3e: {  	_ =	shalt  }
0x3f: {  	_ =	shalt  }
0x40: {  	_ =	shalt  }
0x41: {  	_ =	shalt  }
0x42: {  	_ =	shalt  }
0x43: {  	_ =	shalt  }
0x44: {  	_ =	shalt  }
0x45: {  	_ =	shalt  }
0x46: {  	_ =	shalt  }
0x47: {  	_ =	shalt  }
0x48: {  	_ =	shalt  }
0x49: {  	_ =	shalt  }
0x4a: {  	_ =	shalt  }
0x4b: {  	_ =	shalt  }
0x4c: {  	_ =	shalt  }
0x4d: {  	_ =	shalt  }
0x4e: {  	_ =	shalt  }
0x4f: {  	_ =	shalt  }
0x50: {  	_ =	shalt  }
0x51: {  	_ =	shalt  }
0x52: {  	_ =	shalt  }
0x53: {  	_ =	shalt  }
0x54: {  	_ =	shalt  }
0x55: {  	_ =	shalt  }
0x56: {  	_ =	shalt  }
0x57: {  	_ =	shalt  }
0x58: {  	_ =	shalt  }
0x59: {  	_ =	shalt  }
0x5a: {  	_ =	shalt  }
0x5b: {  	_ =	shalt  }
0x5c: {  	_ =	shalt  }
0x5d: {  	_ =	shalt  }
0x5e: {  	_ =	shalt  }
0x5f: {  	_ =	shalt  }
0x60: {  	_ =	shalt  }
0x61: {  	_ =	shalt  }
0x62: {  	_ =	shalt  }
0x63: {  	_ =	shalt  }
0x64: {  	_ =	shalt  }
0x65: {  	_ =	shalt  }
0x66: {  	_ =	shalt  }
0x67: {  	_ =	shalt  }
0x68: {  	_ =	shalt  }
0x69: {  	_ =	shalt  }
0x6a: {  	_ =	shalt  }
0x6b: {  	_ =	shalt  }
0x6c: {  	_ =	shalt  }
0x6d: {  	_ =	shalt  }
0x6e: {  	_ =	shalt  }
0x6f: {  	_ =	shalt  }
0x70: {  	_ =	shalt  }
0x71: {  	_ =	shalt  }
0x72: {  	_ =	shalt  }
0x73: {  	_ =	shalt  }
0x74: {  	_ =	shalt  }
0x75: {  	_ =	shalt  }
0x76: {  	_ =	shalt  }
0x77: {  	_ =	shalt  }
0x78: {  	_ =	shalt  }
0x79: {  	_ =	shalt  }
0x7a: {  	_ =	shalt  }
0x7b: {  	_ =	shalt  }
0x7c: {  	_ =	shalt  }
0x7d: {  	_ =	shalt  }
0x7e: {  	_ =	shalt  }
0x7f: {  	_ =	shalt  }
0x80: {  	_ =	shalt  }
0x81: {  	_ =	shalt  }
0x82: {  	_ =	shalt  }
0x83: {  	_ =	shalt  }
0x84: {  	_ =	shalt  }
0x85: {  	_ =	shalt  }
0x86: {  	_ =	shalt  }
0x87: {  	_ =	shalt  }
.Lfunc_end0:
.L_simem_size_0:
called_computation_lowered:
.L_overlay_start_0:
0x88: {  	s2 =	sld [smem:$0x3FD9]  }
0x89: {  	s3 =	sld [smem:$0x3FFE];
	_ =	sdelay $0x1  }
0x8a: {  	s1 =	srdreg.scid  }
0x8b: {  	s0 =	sand.u32 $0x1, s1  }
0x8c: {  	s16 =	sshll.u32 s0, $0xA;
	s2 =	sadd.s32 s3, s2  }
0x8d: {  	s2 =	sadd.s32 s2, s16  }
0x8e: {  	[smem:$0x3FC6] =	sst s2  }
0x8f: {  	_ = 	snop  }
0x90: {  	(tm) =	ssettm $0x1  }
0x91: {  	s17 =	sld [smem:$0x3FFB];
	_ =	sdelay $0x3  }
0x92: {  	_ =	strace s17  }
0x93: {  	s2 =	sld [smem:$0x3FFC];
	_ =	sdelay $0x3  }
0x94: {  	_ =	strace s2  }
0x95: {  	s2 =	sld [smem:$0x3FFD];
	_ =	sdelay $0x3  }
0x96: {  	_ =	strace s2  }
0x97: {  	_ =	strace $0x8FFFFFFF  }
0x98: {  	s18 =	sld [smem:$0x3FDB];
	_ =	sdelay $0x1  }
0x99: {  	s19 =	simm.s32 $_scs_section_size  }
0x9a: {  	s4 =	simm.s32 $_size__tile_overlayer_lowered;
	s5 =	simm.s32 $_tile_overlayer_lowered  }
0x9b: {  	s22 =	simm.s32 $0x1BFF;
	s21 =	sshll.u32 s5, $0x1;
	s2 =	sadd.s32 s19, s18  }
0x9c: {  	s6 =	simm.s32 $0x0;
	s20 =	sshll.u32 s4, $0x1;
	s4 =	sadd.s32 s21, s2  }
0x9d: {  	[timem:s6], [sflag:s22] =	dma.local [hbm:s4], s20  }
0x9e: {  	_ =	swait.ge [sflag:s22], s20  }
0x9f: {  	s3 =	ssub.s32 $0x0, s20;
	[sflag:s22] =	ssyncset.done $0x0  }
0xa0: {  	[sflag:s22] =	ssyncadd.s32 s3;
	_ =	sdelay $0x1  }
0xa1: {  	s23 =	simm.s32 $0x1B8B  }
0xa2: {  	_ =	swait.ge [sflag:s23], $0x1  }
0xa3: {  	[sflag:s23] =	ssyncset.done $0x0  }
0xa4: {  	s25 =	simm.s32 $0x1B8E;
	s24 =	sld [smem:$0x3FFE];
	[sflag:s23] =	ssyncadd.s32 $0xFFFFFFFF  }
0xa5: {  	s26 =	simm.s32 $execute0_lowered;
	[smem:$0x3FD2] =	sst s25  }
0xa6: {  	s4 =	sshll.u32 s26, $0x1;
	_ =	strace $0x80000046;
	[dreg:$0x1] =	wrdreg $0xFFFFFFFF  }
0xa7: {  	s28 =	simm.s32 $_size_execute0_lowered;
	s2 =	sadd.s32 s2, s4;
	[dreg:$0x0] =	wrdreg $0x0  }
0xa8: {  	s4 =	sshll.u32 s28, $0x1;
	[dreg:$0x2] =	wrdreg s2  }
0xa9: {  	[dreg:$0x3] =	wrdreg s4  }
0xaa: {  	[dreg:$0x4] =	wrdreg $0xC0  }
0xab: {  	_ =	task [dreg:s6], $0x5FFFF  }
0xac: {  	[dreg:$0x1] =	wrdreg $0xFFFFFFFF  }
0xad: {  	[dreg:$0x0] =	wrdreg $0x60  }
0xae: {  	[dreg:$0x2] =	wrdreg s24  }
0xaf: {  	[dreg:$0x3] =	wrdreg $0x9  }
0xb0: {  	_ =	task.clear_ibuf [dreg:s6], $0x4FFFF;
	_ =	strace $0x90000046  }
0xb1: {  	s29 =	simm.s32 $0x9;
	_ =	strace $0x80000048  }
0xb2: {  	_ =	swait.ge [sflag:s29], $0x1  }
0xb3: {  	[sflag:s29] =	ssyncadd.s32 $0xFFFFFFFF  }
0xb4: {  	_ =	strace $0x90000048  }
0xb5: {  	_ =	sfence  }
0xb6: {  	s30 =	sld [smem:$0x0];
	_ =	sdelay $0x2  }
0xb7: {  	s31 =	sshll.u32 s1, $0xD;
	s1 =	sshrl.u32 s1, $0x2  }
0xb8: {  	s3 =	sand.u32 $0x4000, s31;
	s1 =	sadd.s32 s1, s30  }
0xb9: {  	s0 =	sor.u32 s3, s0;
	s1 =	sshll.u32 s1, $0x11  }
0xba: {  	s0 =	sor.u32 s1, s0  }
0xbb: {  	s0 =	sadd.s32 $0x8F2B, s0  }
0xbc: {  	[sflag:s0] =	ssyncadd.remote.s32 $0x1  }
0xbd: {  	_ =	sfence.sel $0xFFFF  }
0xbe: {  	[dreg:$0x0] =	wrdreg $0xFFFFFFFF;
	(pc) =	sbr.abs _section_cstart, $3  }
0xbf: {  	[dreg:$0x1] =	wrdreg $0xFFFFFFFF  }
0xc0: {  	_ =	task.clear_ibuf [dreg:s6], $0x2FFFF;
	_ =	strace $0x9FFFFFFF  }
0xc1: {  	(tm) =	ssettm $0x7FFFFFFF  }
tec
execute0_lowered:
.L_overlay_start_1:
0x0: {  	(tag) =	ssettag $0x1  }
0x1: {  	v0 =	vlaneseq.u32  }
0x2: {  	v6 =	vmul.u32 $0x1A, v0  }
0x3: {  	s3 =	rddreg [dreg:$0x0];
	s2 =	simm.s32 $0x0  }
0x4: {  	s1 =	srdreg.scid;
	[smem:$0x7FF] =	sst s2;
	v11 =	vadd.s32 $0x5, v6  }
0x5: {  	s4 =	sand.u32 $0x1, s1;
	s1 =	rddreg [dreg:$0x1];
	_ =	strace $0x80000047;
	v12 =	vadd.s32 $0x6, v6;
	[tilespmem:$0x1FF60] =	vst v11  }
0x6: {  	s0 =	stileid.u32;
	v16 =	vimm.f32 $0.0e+00;
	v17 =	vimm.f32 $1.000000000e+00;
	v4 =	vadd.s32 $0x12, v6;
	[tilespmem:$0x1FF70] =	vst v12  }
0x7: {  	vm0 =	vcmask $0xF0C;
	vm1 =	vcmask $0x3F0C;
	s5 =	sshll.u32 s0, $0x1;
	v26 =	vadd.s32 $0x10, v6;
	[tilespmem:$0x1FF80] =	vst v4  }
0x8: {  	s8 =	simm.s32 $0x9F80;
	s5 =	sor.u32 s4, s5;
	v7 =	vor.u32 $0x1, v6;
	v8 =	vadd.s32 $0x2, v6;
	v19 =	vadd.s32 $0x11, v6;
	[tilespmem:$0x1FF90] =	vst v26  }
0x9: {  	s9 =	simm.s32 $0x13F00;
	s10 =	simm.s32 $0x14580;
	v9 =	vadd.s32 $0x3, v6;
	v10 =	vadd.s32 $0x4, v6;
	s6 =	smul.u32 $0x13E8, s5;
	v0 =	vadd.s32 $0x15, v6;
	[tilespmem:$0x1FFA0] =	vst v19  }
.Ltmp0:
0xa: {  	s11 =	simm.s32 $0x14C00;
	s12 =	simm.s32 $0x15280;
	v13 =	vadd.s32 $0x7, v6;
	v14 =	vadd.s32 $0x8, v6;
	v1 =	vadd.s32 $0x16, v6;
	[tilespmem:$0x1FFB0] =	vst v0;
	(pc) =	sbr.rel .LBB2_1-.Ltmp0, $4  }
0xb: {  	s13 =	simm.s32 $0x0;
	s4 =	ssub.s32 $0x2, s4;
	v15 =	vadd.s32 $0x9, v6;
	s5 =	sshll.u32 s5, $0x4;
	v18 =	vadd.s32 $0xA, v6;
	v2 =	vadd.s32 $0x17, v6;
	[tilespmem:$0x1FFC0] =	vst v1  }
0xc: {  	v21 =	vadd.s32 $0xB, v6;
	v22 =	vadd.s32 $0xC, v6;
	s31 =	sshrl.u32 s4, $0x1;
	v62 =	vadd.s32 $0x18, v6;
	s5 =	sadd.s32 s5, s3;
	[tilespmem:$0x1FFD0] =	vst v2;
	s6 =	sadd.s32 s6, s3  }
0xd: {  	v23 =	vadd.s32 $0xD, v6;
	v24 =	vadd.s32 $0xE, v6;
	v63 =	vadd.s32 $0x19, v6;
	s7 =	ssub.s32 s4, s31;
	[tilespmem:$0x1FFE0] =	vst v62;
	s5 =	sadd.s32 $0x50400, s5;
	s3 =	sadd.s32 $0x800, s6  }
0xe: {  	v25 =	vadd.s32 $0xF, v6;
	v27 =	vadd.s32 $0x13, v6;
	v28 =	vadd.s32 $0x14, v6;
	[tilespmem:$0x1FFF0] =	vst v63;
	s4 =	sadd.s32 $0x28600, s6;
	s6 =	smax.u32 s7, $0x1;
	s7 =	simm.s32 $0x1  }
.LBB2_4:
0xf: {  	v29 =	vimm.f32 $0.0e+00;
	v2 =	vlaneseq.u32  }
.LBB2_8:
0x10: {  	(xrf2) =	vadd.scan.msk.f32 $0xffff, v29;
	_ =	sdelay $0x9  }
0x11: {  	v0, _, _ =	vpop (xrf2)  }
0x12: {  	(v2sf) =	vpush v0, $0xF;
	_ =	sdelay $0x8  }
0x13: {  	p0 =	sgt.s32 s16, $0x0  }
0x14: {  	s16 =	simm.s32 @!p0 $0x0  }
0x15: {  	v0 =	vld.msk [tilespmem:s16+$0x13F00 ss:$0x0], $0xffff  }
0x16: {  	v1 =	vld.msk [tilespmem:$0x14580 ss:$0x0], $0xffff;
	_ =	sdelay $0x2  }
0x17: {  	s31 =	spop (v2sf)  }
0x18: {  	v0 =	vnsel vm0, $0x0, v0;
	s15 =	sadd.f32 s31, s15  }
0x19: {  	vm2 =	veq.s32 v2, $0x0;
	p0 =	sgt.s32 s14, $0x0;
	s14 =	simm.f32 $1.000000000e+00;
	v0 =	vsel vm1, v0, v1  }
0x1a: {  	s13 =	sadd.s32 $0x1, s13;
	s14 =	simm.s32 @!p0 $0x0;
	v0 =	vsel vm2, s15, v0;
	vm2 =	veq.s32 v2, $0x1  }
0x1b: {  	p0 =	sne.s32 s13, s6;
	v0 =	vsel vm2, s14, v0  }
.Ltmp1:
0x1c: {  	[tilespmem:$0x15280] =	vst v0;
	(pc) =	sbr.rel @!p0 .LBB2_9-.Ltmp1, $4  }
0x1d: {  	[hbm4b:s5+s2] =	stream.linear.scatter [tilespmem:s12], [sflag:$0x1], $0x80, $0x38;
	[tilespmem:$0x15300] =	vst v63  }
0x1e: {  	_ =	swait.ge [sflag:s7], $0x80  }
0x1f: {  	[sflag:s7] =	ssyncset.done $0x0  }
0x20: {  	v1 =	vmov v60;
	v2 =	vmov v61;
	v0 =	vmov v59;
	[sflag:s7] =	ssyncadd.s32 $0xFFFFFF80  }
.LBB2_1:
0x21: {  	[tilespmem:s2], [sflag:$0x1] =	stream.linear.gather [hbm4b:s3+s2], $0x9F40, $0x38;
	[tilespmem:$0x15300] =	vst v63  }
0x22: {  	_ =	swait.ge [sflag:s7], $0x9F40  }
0x23: {  	[sflag:s7] =	ssyncset.done $0x0  }
0x24: {  	v29 =	vadd.s32 s2, v6;
	[sflag:s7] =	ssyncadd.s32 $0xFFFF60C0  }
0x25: {  	v31 =	vadd.s32 s2, v11;
	[tilespmem:s8], [sflag:$0x1] =	stream.linear.gather [hbm4b:s4+s2], $0x9F40, $0x38;
	[tilespmem:$0x15300] =	vst v63  }
0x26: {  	_ =	swait.ge [sflag:s7], $0x9F40  }
0x27: {  	v34 =	vadd.s32 s2, v12;
	[sflag:s7] =	ssyncset.done $0x0  }
0x28: {  	[sflag:s7] =	ssyncadd.s32 $0xFFFF60C0  }
0x29: {  	v3 =	vld.idx.msk [tilespmem:v29+s2+$0x0], $0xffff  }
0x2a: {  	v39 =	vadd.s32 s2, v8;
	v5 =	vld.idx.msk [tilespmem:v31+s2+$0x0], $0xffff  }
0x2b: {  	v38 =	vadd.s32 s2, v14;
	v35 =	vld.idx.msk [tilespmem:v31+s8+$0x0], $0xffff  }
0x2c: {  	v30 =	vld.idx.msk [tilespmem:v34+s2+$0x0], $0xffff  }
0x2d: {  	v37 =	vld.idx.msk [tilespmem:v29+s8+$0x0], $0xffff  }
0x2e: {  	v40 =	vadd.s32 s2, v7;
	v36 =	vld.idx.msk [tilespmem:v34+s8+$0x0], $0xffff  }
0x2f: {  	v33 =	vld.idx.msk [tilespmem:v39+s8+$0x0], $0xffff  }
0x30: {  	v31 =	vadd.s32 s2, v9;
	v34 =	vld.idx.msk [tilespmem:v38+s2+$0x0], $0xffff  }
0x31: {  	v38 =	vld.idx.msk [tilespmem:v38+s8+$0x0], $0xffff  }
0x32: {  	v29 =	vadd.s32 s2, v13;
	v32 =	vld.idx.msk [tilespmem:v39+s2+$0x0], $0xffff  }
0x33: {  	v45 =	vld.idx.msk [tilespmem:v40+s2+$0x0], $0xffff  }
0x34: {  	v40 =	vld.idx.msk [tilespmem:v40+s8+$0x0], $0xffff;
	v43 =	vmul.f32 $6.400000000e+01, v37;
	v46 =	vmul.f32 $2.240000000e+02, v33  }
0x35: {  	v42 =	vld.idx.msk [tilespmem:v31+s2+$0x0], $0xffff;
	v47 =	vmul.f32 $6.400000000e+01, v3;
	v48 =	vmul.f32 $2.240000000e+02, v34  }
0x36: {  	v49 =	vmul.f32 $2.240000000e+02, v38;
	v50 =	vld.idx.msk [tilespmem:v31+s8+$0x0], $0xffff;
	v31 =	vmul.f32 $6.400000000e+01, v30  }
0x37: {  	[tilespmem:$0x1FF30] =	vst v3;
	v44 =	vld.idx.msk [tilespmem:v29+s8+$0x0], $0xffff;
	v3 =	vmov v30;
	v30 =	vmul.f32 $6.400000000e+01, v5;
	v55 =	vmul.f32 $2.240000000e+02, v32  }
0x38: {  	v52 =	vld.idx.msk [tilespmem:v29+s2+$0x0], $0xffff;
	v54 =	vmul.f32 $6.400000000e+01, v35;
	v51 =	vsub.f32 v43, v46;
	v43 =	vadd.f32 v46, v43  }
0x39: {  	v56 =	vmul.f32 $6.400000000e+01, v36;
	v60 =	vadd.f32 v55, v47;
	v47 =	vsub.f32 v47, v55  }
0x3a: {  	v59 =	vmul.f32 $6.400000000e+01, v40;
	v46 =	vadd.f32 v48, v31;
	v31 =	vsub.f32 v31, v48  }
0x3b: {  	v58 =	vsub.f32 v43, v51;
	v43 =	vmin.f32 v60, v43;
	v51 =	vmax.f32 v47, v51  }
0x3c: {  	v41 =	vsub.f32 v46, v31;
	v47 =	vsub.f32 v60, v47;
	v53 =	vmul.f32 $2.240000000e+02, v44  }
0x3d: {  	v63 =	vmul.f32 $2.240000000e+02, v50;
	v39 =	vmul.f32 $2.240000000e+02, v52;
	v43 =	vsub.f32 v43, v51  }
0x3e: {  	v57 =	vmul.f32 $6.400000000e+01, v45;
	v61 =	vadd.f32 v53, v54;
	v53 =	vsub.f32 v54, v53  }
0x3f: {  	v62 =	vmul.f32 $2.240000000e+02, v42;
	v48 =	vadd.f32 v63, v59;
	v29 =	vadd.f32 v39, v30  }
0x40: {  	v58 =	vmax.f32 v58, $0.0e+00;
	v30 =	vsub.f32 v30, v39;
	v39 =	vadd.f32 v49, v56  }
0x41: {  	v47 =	vmax.f32 v47, $0.0e+00;
	v51 =	vadd.f32 v62, v57;
	v59 =	vsub.f32 v59, v63  }
0x42: {  	v63 =	vadd.s32 s2, v10;
	v49 =	vsub.f32 v56, v49;
	v56 =	vmax.f32 v41, $0.0e+00  }
0x43: {  	v57 =	vsub.f32 v57, v62;
	v43 =	vmax.f32 v43, $0.0e+00;
	v55 =	vsub.f32 v61, v53  }
0x44: {  	v61 =	vmin.f32 v29, v61;
	v53 =	vmax.f32 v30, v53;
	v46 =	vmin.f32 v46, v39  }
0x45: {  	v29 =	vsub.f32 v29, v30;
	v31 =	vmax.f32 v31, v49;
	v49 =	vsub.f32 v39, v49  }
0x46: {  	v30 =	vmin.f32 v51, v48;
	v39 =	vsub.f32 v48, v59;
	v54 =	vsub.f32 v51, v57  }
0x47: {  	v62 =	vmax.f32 v57, v59;
	v53 =	vsub.f32 v61, v53;
	v31 =	vsub.f32 v46, v31  }
0x48: {  	v30 =	vsub.f32 v30, v62;
	v55 =	vmax.f32 v55, $0.0e+00;
	v29 =	vmax.f32 v29, $0.0e+00  }
0x49: {  	v41 =	vmax.f32 v49, $0.0e+00;
	v49 =	vmax.f32 v54, $0.0e+00;
	v46 =	vmax.f32 v39, $0.0e+00  }
0x4a: {  	v29 =	vmul.f32 v56, v29;
	v31 =	vmax.f32 v31, $0.0e+00;
	v48 =	vmul.f32 v41, v55  }
0x4b: {  	v56 =	vmax.f32 v53, $0.0e+00;
	v47 =	vmul.f32 v49, v47;
	v46 =	vmul.f32 v46, v58  }
0x4c: {  	v30 =	vmax.f32 v30, $0.0e+00;
	v31 =	vmul.f32 v31, v56;
	v29 =	vadd.f32 v48, v29  }
0x4d: {  	v30 =	vmul.f32 v30, v43;
	v57 =	vadd.f32 v46, v47  }
0x4e: {  	v48 =	vld.idx.msk [tilespmem:v63+s8+$0x0], $0xffff;
	v29 =	vsub.f32 v29, v31  }
0x4f: {  	v43 =	vsub.f32 v57, v30  }
0x50: {  	v29 =	vadd.f32 $9.999999970e-07, v29  }
0x51: {  	v43 =	vadd.f32 $9.999999970e-07, v43  }
0x52: {  	(erf) = vrcp.f32 v29  }
0x53: {  	vm2 =	vgt.f32 v48, $0.0e+00;
	(erf) = vrcp.f32 v43  }
0x54: {  	v20 =	vsel vm2, $0x3F800000, v16  }
0x55: {  	(xrf2) =	vadd.scan.msk.f32 $0xffff, v20;
	_ =	sdelay $0x2  }
0x56: {  	v47 =	vadd.s32 s2, v19  }
0x57: {  	v58 =	vadd.s32 s2, v15;
	_ =	sdelay $0x1  }
0x58: {  	v51 =	vadd.s32 s2, v26;
	v59 =	vpop (erf)  }
0x59: {  	v60 =	vpop (erf)  }
0x5a: {  	v46 =	vmul.f32 v59, v31;
	v39 =	vmul.f32 v60, v30;
	v30 =	vld.idx.msk [tilespmem:v47+s2+$0x0], $0xffff  }
0x5b: {  	v49 =	vadd.s32 s2, v4;
	v53 =	vadd.s32 s2, v25;
	v29 =	vld.idx.msk [tilespmem:v58+s2+$0x0], $0xffff;
	v31 =	vmov s2  }
0x5c: {  	v55 =	vadd.s32 s2, v24;
	v61, _, _ =	vpop (xrf2);
	v62 =	vadd.s32 $0xFFFFFFFF, v31;
	v31 =	vld.idx.msk [tilespmem:v63+s2+$0x0], $0xffff;
	vm3 =	vgt.f32 v46, v39  }
0x5d: {  	v58 =	vadd.s32 s2, v21;
	v60 =	vld.idx.msk [tilespmem:v51+s8+$0x0], $0xffff;
	v54 =	vtrunc.f32 v61;
	v41 =	vsel vm3, v52, v32  }
0x5e: {  	v43 =	vsel vm3, v44, v33;
	v34 =	vsel vm3, v34, v42;
	v42 =	vsel vm3, v3, v45;
	v3 =	vld [tilespmem:$0x1FF30]  }
0x5f: {  	v59 =	vadd.s32 s2, v22;
	v52 =	vcvt.f32.s32 v54;
	v57 =	vmul.f32 v43, v41;
	[tilespmem:$0x1FF40] =	vst v30;
	v30 =	vld.idx.msk [tilespmem:v47+s8+$0x0], $0xffff  }
0x60: {  	v56 =	vbroadcast v62, $0x0;
	v44 =	vadd.s32 s2, v23;
	v37 =	vsel vm3, v35, v37;
	v47 =	vld.idx.msk [tilespmem:v51+s2+$0x0], $0xffff  }
0x61: {  	v54 =	vxor.u32 $0x80000000, v52;
	v51 =	vld.idx.msk [tilespmem:v55+s8+$0x0], $0xffff;
	v33 =	vshra.s32 v57, $0x1;
	v63 =	vmul.f32 $5.000000000e-01, v57  }
0x62: {  	v32 =	vsel vm3, v38, v50;
	v40 =	vsel vm3, v36, v40;
	(xrf0) =	vmax.scan.msk.u32 $0xffff, v54;
	v54 =	vld.idx.msk [tilespmem:v53+s8+$0x0], $0xffff;
	v62 =	vsub.s32 $0x5F3759DF, v33  }
0x63: {  	v35 =	vmul.f32 v32, v34;
	v53 =	vld.idx.msk [tilespmem:v53+s2+$0x0], $0xffff;
	v38 =	vmul.f32 v62, v63;
	v45 =	vsel vm3, v5, v3  }
0x64: {  	v61 =	vadd.s32 s2, v18;
	v42 =	vsub.f32 v42, v40;
	v50 =	vsub.f32 v45, v37;
	v37 =	vld.idx.msk [tilespmem:v55+s2+$0x0], $0xffff  }
0x65: {  	v39 =	vmax.f32 v39, v46;
	v40 =	vshra.s32 v35, $0x1;
	v45 =	vld.idx.msk [tilespmem:v44+s2+$0x0], $0xffff;
	v38 =	vmul.f32 v62, v38  }
0x66: {  	v42 =	vmul.f32 v42, v42;
	v33 =	vadd.s32 v52, v56;
	v55 =	vmul.f32 $5.000000000e-01, v35;
	v44 =	vld.idx.msk [tilespmem:v44+s8+$0x0], $0xffff  }
0x67: {  	v56 =	vld.idx.msk [tilespmem:v58+s8+$0x0], $0xffff;
	[tilespmem:$0x1FF50] =	vst v30;
	v30 =	vsub.s32 $0x5F3759DF, v40;
	v36 =	vmul.f32 v50, v50;
	v38 =	vsub.f32 $1.500000000e+00, v38  }
0x68: {  	v58 =	vld.idx.msk [tilespmem:v58+s2+$0x0], $0xffff;
	v40 =	vsel vm3, v29, v31;
	v52 =	vmul.f32 v30, v55;
	v53 =	vsub.f32 v53, v54  }
0x69: {  	v54 =	vld [tilespmem:$0x1FFE0];
	v36 =	vadd.f32 v42, v36;
	v62 =	vmul.f32 v62, v38;
	v38 =	vsub.f32 v40, v39  }
0x6a: {  	v46 =	vmul.f32 v30, v52;
	v52 =	vld.idx.msk [tilespmem:v59+s2+$0x0], $0xffff;
	v40 =	vsub.f32 v31, v48;
	v51 =	vsub.f32 v37, v51  }
0x6b: {  	v48 =	vld.idx.msk [tilespmem:v59+s8+$0x0], $0xffff;
	v59 =	vadd.s32 s2, v27;
	v37 =	vsub.f32 $1.000000000e+00, v20;
	v45 =	vsub.f32 v45, v44  }
0x6c: {  	v39 =	vadd.f32 v36, v41;
	v41 =	vld.idx.msk [tilespmem:v61+s2+$0x0], $0xffff;
	v46 =	vsub.f32 $1.500000000e+00, v46  }
0x6d: {  	v50, _, _ =	vpop (xrf0);
	v44 =	vadd.s32 s2, v2;
	v61 =	vld.idx.msk [tilespmem:v61+s8+$0x0], $0xffff;
	v42 =	vmul.f32 v62, v63;
	v40 =	vmul.f32 v40, v40  }
0x6e: {  	(v2sf) =	vpush v50, $0xF;
	v30 =	vmul.f32 v30, v46;
	v46 =	vld.idx.msk [tilespmem:v49+s2+$0x0], $0xffff  }
0x6f: {  	v50 =	vmul.f32 v42, v62;
	v36 =	vmul.f32 v37, v40;
	v37 =	vadd.s32 s2, v28;
	v40 =	vld.idx.msk [tilespmem:v49+s8+$0x0], $0xffff  }
0x70: {  	v42 =	vadd.f32 v39, v43;
	v49 =	vsub.f32 v58, v56;
	v58 =	vld.idx.msk [tilespmem:v59+s2+$0x0], $0xffff  }
0x71: {  	v48 =	vsub.f32 v52, v48;
	v52 =	vld.idx.msk [tilespmem:v59+s8+$0x0], $0xffff;
	v39 =	vsub.f32 $1.500000000e+00, v50  }
0x72: {  	v59 =	vld.idx.msk [tilespmem:v44+s8+$0x0], $0xffff;
	v41 =	vsub.f32 v41, v61  }
0x73: {  	v2 =	vmul.f32 v30, v55;
	v50 =	vld [tilespmem:$0x1FFF0];
	v61 =	vadd.s32 s2, v1;
	v39 =	vmul.f32 v39, v62  }
0x74: {  	v49 =	vmul.f32 v49, v49;
	v41 =	vmul.f32 v41, v41;
	v43 =	vld.idx.msk [tilespmem:v37+s2+$0x0], $0xffff  }
0x75: {  	v56 =	vmul.f32 v2, v30;
	v62 =	vadd.s32 s2, v0;
	v0 =	vmul.f32 v39, v63;
	v63 =	vld.idx.msk [tilespmem:v44+s2+$0x0], $0xffff  }
0x76: {  	v54 =	vadd.s32 s2, v54;
	v41 =	vadd.f32 v49, v41;
	v49 =	vld.idx.msk [tilespmem:v37+s8+$0x0], $0xffff  }
0x77: {  	v48 =	vmul.f32 v48, v48;
	v44 =	vsub.f32 $1.500000000e+00, v56;
	v56 =	vld [tilespmem:$0x1FF40]  }
0x78: {  	v53 =	vmul.f32 v53, v53;
	v2 =	vsub.f32 v47, v60;
	v60 =	vmul.f32 v0, v39;
	v0 =	vld.idx.msk [tilespmem:v61+s8+$0x0], $0xffff  }
0x79: {  	v1 =	vmul.f32 v45, v45;
	v46 =	vsub.f32 v46, v40;
	v41 =	vadd.f32 v48, v41;
	v61 =	vld.idx.msk [tilespmem:v61+s2+$0x0], $0xffff  }
0x7a: {  	v50 =	vadd.s32 s2, v50;
	v44 =	vmul.f32 v44, v30;
	v30 =	vsub.f32 $1.500000000e+00, v60;
	v60 =	vld [tilespmem:$0x1FF50]  }
0x7b: {  	v47 =	vsub.f32 v58, v52;
	v48 =	vld.idx.msk [tilespmem:v54+s8+$0x0], $0xffff;
	v41 =	vadd.f32 v1, v41;
	v1 =	vmul.f32 v51, v51  }
0x7c: {  	v55 =	vmul.f32 v44, v55;
	v51 =	vld.idx.msk [tilespmem:v54+s2+$0x0], $0xffff;
	v54 =	vmul.f32 v2, v2;
	v45 =	vsub.f32 v63, v59  }
0x7d: {  	v49 =	vsub.f32 v43, v49;
	v30 =	vmul.f32 v30, v39;
	v39 =	vadd.s32 $0xFFFFFFFF, v33  }
0x7e: {  	v40 =	vld.idx.msk [tilespmem:v62+s8+$0x0], $0xffff;
	v63 =	vmul.f32 v29, v29;
	v58 =	vadd.f32 v1, v41;
	vm4 =	vgt.s32 v39, $0xFFFFFFFF  }
0x7f: {  	s14 =	spop (v2sf);
	v37 =	vld.idx.msk [tilespmem:v50+s8+$0x0], $0xffff;
	v60 =	vsub.f32 v56, v60;
	v56 =	vmul.f32 v30, v57;
	v30 =	vmul.f32 v55, v44  }
0x80: {  	v41 =	vsel vm3, $0x0, v17;
	v52 =	vld.idx.msk [tilespmem:v50+s2+$0x0], $0xffff;
	s14 =	sadd.s32 $0x0, s14;
	v43 =	vsub.f32 v61, v0;
	vm4 =	vmand vm2, vm4  }
0x81: {  	s15 =	simm.s32 $0x1A0;
	v50 =	vld.idx.msk [tilespmem:v62+s2+$0x0], $0xffff;
	[tilespmem:v33+s9+$0x0] =	vst.idx.msk vm2, v63;
	s14 =	sadd.s32 $0x80000000, s14;
	v55 =	vsub.f32 $1.500000000e+00, v30;
	v57 =	vmul.f32 v60, v60;
	v30 =	vimm.f32 $0.0e+00  }
.LBB2_2:
0x82: {  	v53 =	vadd.f32 v53, v58  }
0x83: {  	s16 =	smov.u32 s15;
	v2 =	vadd.f32 v56, v56;
	v56 =	vmul.f32 v55, v44  }
0x84: {  	v58 =	vadd.f32 v54, v53;
	v53 =	vadd.s32 s16, v6  }
0x85: {  	v60 =	vmul.f32 v56, v35;
	v56 =	vadd.s32 s16, v7  }
0x86: {  	[tilespmem:v33+s10+$0x0] =	vst.idx.msk vm2, v41;
	v46 =	vmul.f32 v46, v46;
	v61 =	vadd.f32 v57, v58  }
0x87: {  	v59 =	vmul.f32 v47, v47;
	v63 =	vmul.f32 v49, v49;
	v33 =	vsub.f32 v42, v2  }
0x88: {  	[tilespmem:v39+s11+$0x0] =	vst.idx.msk vm4, v41;
	v37 =	vsub.f32 v52, v37;
	v55 =	vadd.s32 s16, v12;
	v35 =	vadd.f32 v46, v61  }
0x89: {  	v62 =	vsub.f32 v50, v40;
	v52 =	vmul.f32 v43, v43;
	v33 =	vadd.f32 v33, v34;
	v43 =	vld.idx.msk [tilespmem:v53+s8+$0x0], $0xffff  }
0x8a: {  	v34 =	vadd.f32 v60, v60;
	v60 =	vadd.s32 s16, v14;
	v44 =	vld.idx.msk [tilespmem:v56+s8+$0x0], $0xffff;
	v0 =	vadd.f32 v59, v35  }
0x8b: {  	v32 =	vadd.f32 v33, v32;
	v47 =	vld.idx.msk [tilespmem:v56+s2+$0x0], $0xffff  }
0x8c: {  	v57 =	vadd.s32 s16, v8;
	v1 =	vmul.f32 v62, v62;
	v35 =	vld.idx.msk [tilespmem:v53+s2+$0x0], $0xffff;
	v33 =	vadd.f32 v63, v0  }
0x8d: {  	v61 =	vadd.s32 s16, v13;
	v32 =	vsub.f32 v32, v34;
	v34 =	vld.idx.msk [tilespmem:v55+s2+$0x0], $0xffff  }
0x8e: {  	v38 =	vmul.f32 v38, v38;
	v54 =	vadd.s32 s16, v11;
	v42 =	vld.idx.msk [tilespmem:v55+s8+$0x0], $0xffff;
	v33 =	vadd.f32 v1, v33  }
0x8f: {  	v2 =	vmul.f32 v45, v45;
	v62 =	vmul.f32 $5.000000000e-01, v36;
	v36 =	vld.idx.msk [tilespmem:v60+s2+$0x0], $0xffff  }
0x90: {  	v48 =	vsub.f32 v51, v48;
	v46 =	vld.idx.msk [tilespmem:v60+s8+$0x0], $0xffff;
	v32 =	vmul.f32 $5.000000000e+00, v32;
	v33 =	vadd.f32 v52, v33  }
0x91: {  	v31 =	vmul.f32 v31, v31;
	v58 =	vadd.s32 s16, v9;
	v51 =	vld.idx.msk [tilespmem:v57+s2+$0x0], $0xffff  }
0x92: {  	v59 =	vmul.f32 v48, v48;
	v48 =	vld.idx.msk [tilespmem:v61+s8+$0x0], $0xffff;
	v32 =	vadd.f32 v32, v38;
	v33 =	vadd.f32 v2, v33  }
0x93: {  	v31 =	vnsel vm3, $0x0, v31;
	v38 =	vld.idx.msk [tilespmem:v54+s2+$0x0], $0xffff  }
0x94: {  	v37 =	vmul.f32 v37, v37;
	v31 =	vadd.f32 v32, v31;
	v32 =	vld.idx.msk [tilespmem:v54+s8+$0x0], $0xffff;
	v33 =	vadd.f32 v59, v33  }
0x95: {  	v53 =	vld.idx.msk [tilespmem:v61+s2+$0x0], $0xffff;
	v61 =	vadd.s32 s16, v10  }
0x96: {  	v41 =	vld.idx.msk [tilespmem:v57+s8+$0x0], $0xffff;
	v57 =	vmul.f32 $6.400000000e+01, v42;
	v40 =	vmul.f32 $2.240000000e+02, v36;
	v33 =	vadd.f32 v37, v33  }
0x97: {  	v49 =	vmul.f32 $2.240000000e+02, v46;
	v52 =	vld.idx.msk [tilespmem:v58+s8+$0x0], $0xffff;
	v56 =	vmul.f32 $2.240000000e+02, v51  }
0x98: {  	v45 =	vld.idx.msk [tilespmem:v58+s2+$0x0], $0xffff;
	v58 =	vmul.f32 $6.400000000e+01, v47;
	v54 =	vmul.f32 $2.240000000e+02, v48;
	v31 =	vadd.f32 v31, v33  }
0x99: {  	v1 =	vadd.f32 v49, v57;
	v50 =	vmul.f32 $6.400000000e+01, v38;
	v55 =	vmul.f32 $6.400000000e+01, v32  }
0x9a: {  	v49 =	vsub.f32 v57, v49;
	v57 =	vld.idx.msk [tilespmem:v61+s8+$0x0], $0xffff;
	v59 =	vmul.f32 $6.400000000e+01, v44;
	v29 =	vmul.f32 v31, v20  }
0x9b: {  	v63 =	vadd.f32 v54, v55;
	v54 =	vsub.f32 v55, v54;
	v55 =	vmul.f32 $2.240000000e+02, v53  }
0x9c: {  	v11 =	vmul.f32 $2.240000000e+02, v52;
	v37 =	vmul.f32 $6.400000000e+01, v34;
	v29 =	vadd.f32 v29, v30  }
0x9d: {  	v33 =	vmul.f32 $6.400000000e+01, v35;
	v12 =	vadd.f32 v55, v50;
	v50 =	vsub.f32 v50, v55  }
0x9e: {  	v31 =	vmul.f32 $6.400000000e+01, v43;
	v0 =	vadd.f32 v29, v62;
	v29 =	vmul.f32 $2.240000000e+02, v41  }
0x9f: {  	vm2 =	vgt.f32 v57, $0.0e+00;
	v62 =	vadd.f32 v56, v33;
	v33 =	vsub.f32 v33, v56  }
0xa0: {  	v20 =	vsel vm2, $0x3F800000, v16;
	v56 =	vsub.f32 v63, v54;
	v39 =	vsub.f32 v31, v29  }
0xa1: {  	v54 =	vmax.f32 v50, v54;
	v29 =	vadd.f32 v29, v31;
	v31 =	vadd.f32 v40, v37  }
0xa2: {  	[tilespmem:$0x1FF20] =	vst v0;
	v0 =	vmul.f32 $2.240000000e+02, v45;
	v37 =	vsub.f32 v37, v40;
	v40 =	vadd.f32 v11, v59  }
0xa3: {  	v11 =	vsub.f32 v59, v11;
	v60 =	vsub.f32 v29, v39;
	v29 =	vmin.f32 v62, v29  }
0xa4: {  	v39 =	vmax.f32 v33, v39;
	v2 =	vadd.f32 v0, v58;
	v0 =	vsub.f32 v58, v0  }
0xa5: {  	v55 =	vmax.f32 v56, $0.0e+00;
	v33 =	vsub.f32 v62, v33;
	v29 =	vsub.f32 v29, v39  }
0xa6: {  	v39 =	vmin.f32 v12, v63;
	v63 =	vsub.f32 v31, v37;
	v31 =	vmin.f32 v31, v1  }
0xa7: {  	v12 =	vsub.f32 v12, v50;
	v37 =	vmax.f32 v37, v49;
	v1 =	vsub.f32 v1, v49  }
0xa8: {  	v39 =	vsub.f32 v39, v54;
	v56 =	vmax.f32 v60, $0.0e+00;
	v60 =	vmin.f32 v2, v40  }
0xa9: {  	v31 =	vsub.f32 v31, v37;
	v54 =	vmax.f32 v63, $0.0e+00;
	v63 =	vmax.f32 v0, v11  }
0xaa: {  	(xrf2) =	vadd.scan.msk.f32 $0xffff, v20;
	v12 =	vmax.f32 v12, $0.0e+00;
	v11 =	vsub.f32 v40, v11;
	v1 =	vmax.f32 v1, $0.0e+00  }
0xab: {  	v0 =	vsub.f32 v2, v0;
	v50 =	vsub.f32 v60, v63;
	v12 =	vmul.f32 v54, v12  }
0xac: {  	v31 =	vmax.f32 v31, $0.0e+00;
	v1 =	vmul.f32 v1, v55;
	v60 =	vmax.f32 v39, $0.0e+00  }
0xad: {  	v2 =	vmul.f32 v31, v60;
	v0 =	vmax.f32 v0, $0.0e+00  }
0xae: {  	v11 =	vmax.f32 v11, $0.0e+00;
	v1 =	vadd.f32 v1, v12;
	v12 =	vmax.f32 v33, $0.0e+00  }
0xaf: {  	v11 =	vmul.f32 v11, v56;
	v0 =	vmul.f32 v0, v12  }
0xb0: {  	v29 =	vmax.f32 v29, $0.0e+00;
	v33 =	vld [tilespmem:$0x1FFD0];
	v12 =	vmax.f32 v50, $0.0e+00;
	v1 =	vsub.f32 v1, v2  }
0xb1: {  	v12 =	vmul.f32 v12, v29;
	v0 =	vadd.f32 v11, v0  }
0xb2: {  	v1 =	vadd.f32 $9.999999970e-07, v1  }
0xb3: {  	v0 =	vsub.f32 v0, v12  }
0xb4: {  	v62 =	vld [tilespmem:$0x1FFF0];
	v40, _, _ =	vpop (xrf2);
	v31 =	vmov s14;
	(erf) = vrcp.f32 v1  }
0xb5: {  	v56 =	vadd.s32 s16, v33;
	v33 =	vtrunc.f32 v40;
	v0 =	vadd.f32 $9.999999970e-07, v0  }
0xb6: {  	v37 =	vld [tilespmem:$0x1FFB0];
	v11 =	vadd.s32 s16, v4;
	v4 =	vadd.s32 $0xFFFFFFFF, v31;
	v3 =	vcvt.f32.s32 v33  }
0xb7: {  	v33 =	vbroadcast v4, $0x0;
	v4 =	vadd.s32 s16, v21;
	(erf) = vrcp.f32 v0;
	_ =	sdelay $0x1  }
0xb8: {  	v49 =	vadd.s32 s16, v62  }
0xb9: {  	v63 =	vld [tilespmem:$0x1FFC0];
	v0 =	vadd.s32 s16, v15  }
0xba: {  	v50 =	vadd.s32 s16, v37;
	v31 =	vld.idx.msk [tilespmem:v61+s2+$0x0], $0xffff  }
0xbb: {  	v30 =	vmov v21;
	v21 =	vmov v13;
	v13 =	vld.idx.msk [tilespmem:v4+s8+$0x0], $0xffff  }
0xbc: {  	v59 =	vadd.s32 s16, v27;
	v4 =	vld.idx.msk [tilespmem:v4+s2+$0x0], $0xffff;
	v39 =	vpop (erf)  }
0xbd: {  	v5 =	vadd.s32 s16, v22;
	v37 =	vld.idx.msk [tilespmem:v49+s8+$0x0], $0xffff;
	v1 =	vmul.f32 v39, v2;
	v2 =	vadd.s32 s16, v19  }
0xbe: {  	v55 =	vadd.s32 s16, v28;
	v60 =	vadd.s32 s16, v25;
	v62 =	vadd.s32 s16, v26;
	v0 =	vld.idx.msk [tilespmem:v0+s2+$0x0], $0xffff  }
0xbf: {  	v26 =	vmov v22;
	v54 =	vadd.s32 s16, v63;
	v63 =	vadd.s32 s16, v24;
	v40 =	vld.idx.msk [tilespmem:v50+s8+$0x0], $0xffff;
	v39 =	vpop (erf)  }
0xc0: {  	v22 =	vmovc v14;
	v61 =	vadd.s32 s16, v23;
	v50 =	vld.idx.msk [tilespmem:v50+s2+$0x0], $0xffff;
	v33 =	vadd.s32 v3, v33;
	v12 =	vmul.f32 v39, v12  }
0xc1: {  	v14 =	vmovc v15;
	v3 =	vxor.u32 $0x80000000, v3;
	v57 =	vsub.f32 v31, v57;
	v4 =	vsub.f32 v4, v13;
	v13 =	vld.idx.msk [tilespmem:v59+s2+$0x0], $0xffff  }
0xc2: {  	v15 =	vmovc v7;
	(xrf0) =	vmax.scan.msk.u32 $0xffff, v3;
	v19 =	vmov v6;
	v6 =	vadd.s32 s16, v18;
	v7 =	vld.idx.msk [tilespmem:v2+s2+$0x0], $0xffff;
	vm3 =	vgt.f32 v1, v12  }
0xc3: {  	v16 =	vmul.f32 v0, v0;
	v1 =	vmax.f32 v12, v1;
	v12 =	vld.idx.msk [tilespmem:v62+s8+$0x0], $0xffff;
	v3 =	vsel vm3, v53, v51  }
0xc4: {  	v2 =	vld.idx.msk [tilespmem:v2+s8+$0x0], $0xffff;
	v48 =	vsel vm3, v48, v41;
	v41 =	vsel vm3, $0x0, v17;
	v51 =	vsel vm3, v32, v43  }
0xc5: {  	v32 =	vsel vm3, v46, v52;
	v46 =	vld.idx.msk [tilespmem:v60+s8+$0x0], $0xffff;
	v47 =	vsel vm3, v34, v47;
	v43 =	vmul.f32 v48, v3  }
0xc6: {  	v34 =	vsel vm3, v36, v45;
	v45 =	vld.idx.msk [tilespmem:v62+s2+$0x0], $0xffff;
	v36 =	vsel vm3, v38, v35;
	v38 =	vsel vm3, v42, v44  }
0xc7: {  	v29 =	vmovc v28;
	v53 =	vld.idx.msk [tilespmem:v60+s2+$0x0], $0xffff;
	v35 =	vmul.f32 v32, v34;
	v62 =	vshra.s32 v43, $0x1;
	v52 =	vmul.f32 $5.000000000e-01, v43  }
0xc8: {  	v28 =	vmovc v24;
	v44 =	vld.idx.msk [tilespmem:v63+s8+$0x0], $0xffff;
	v0 =	vsel vm3, v0, v31;
	v36 =	vsub.f32 v36, v51;
	v42 =	vsub.s32 $0x5F3759DF, v62  }
0xc9: {  	v24 =	vmovc v18;
	v60 =	vld.idx.msk [tilespmem:v63+s2+$0x0], $0xffff;
	v38 =	vsub.f32 v47, v38;
	v47 =	vshra.s32 v35, $0x1;
	v51 =	vmul.f32 v42, v52  }
0xca: {  	v18 =	vmovc v10;
	v17 =	vmovc v9;
	v9 =	vld.idx.msk [tilespmem:v61+s2+$0x0], $0xffff;
	v63 =	vmul.f32 $5.000000000e-01, v35;
	v36 =	vmul.f32 v36, v36;
	v47 =	vsub.s32 $0x5F3759DF, v47  }
0xcb: {  	v61 =	vld.idx.msk [tilespmem:v61+s8+$0x0], $0xffff;
	v2 =	vsub.f32 v7, v2;
	v7 =	vmov v15;
	v62, _, _ =	vpop (xrf0);
	v51 =	vmul.f32 v42, v51  }
0xcc: {  	v15 =	vmovc v14;
	v14 =	vmovc v22;
	v22 =	vmov v26;
	v26 =	vld [tilespmem:$0x1FF90];
	v10 =	vmul.f32 v47, v63;
	(v2sf) =	vpush v62, $0xF  }
0xcd: {  	v62 =	vmul.f32 v38, v38;
	v38 =	vsub.f32 v0, v1;
	v1 =	vld.idx.msk [tilespmem:v5+s2+$0x0], $0xffff;
	v51 =	vsub.f32 $1.500000000e+00, v51  }
0xce: {  	v10 =	vmul.f32 v47, v10;
	v5 =	vld.idx.msk [tilespmem:v5+s8+$0x0], $0xffff  }
0xcf: {  	v0 =	vmul.f32 v57, v57;
	v57 =	vld.idx.msk [tilespmem:v6+s2+$0x0], $0xffff;
	v36 =	vadd.f32 v62, v36;
	v51 =	vmul.f32 v42, v51  }
0xd0: {  	v6 =	vld.idx.msk [tilespmem:v6+s8+$0x0], $0xffff;
	v10 =	vsub.f32 $1.500000000e+00, v10  }
0xd1: {  	v12 =	vsub.f32 v45, v12;
	v45 =	vld.idx.msk [tilespmem:v59+s8+$0x0], $0xffff;
	v3 =	vadd.f32 v36, v3;
	v36 =	vmul.f32 v51, v52  }
0xd2: {  	v58 =	vsub.f32 $1.000000000e+00, v20;
	v10 =	vmul.f32 v47, v10;
	v47 =	vld.idx.msk [tilespmem:v11+s2+$0x0], $0xffff  }
0xd3: {  	v4 =	vmul.f32 v4, v4;
	v11 =	vld.idx.msk [tilespmem:v11+s8+$0x0], $0xffff;
	v42 =	vadd.f32 v3, v48;
	v3 =	vmul.f32 v36, v51  }
0xd4: {  	v1 =	vsub.f32 v1, v5;
	v48 =	vmul.f32 v10, v63;
	v36 =	vmul.f32 v58, v0;
	v58 =	vld [tilespmem:$0x1FFE0]  }
0xd5: {  	v39 =	vadd.s32 $0xFFFFFFFF, v33;
	v5 =	vld.idx.msk [tilespmem:v55+s2+$0x0], $0xffff;
	v6 =	vsub.f32 v57, v6;
	v3 =	vsub.f32 $1.500000000e+00, v3  }
0xd6: {  	v60 =	vsub.f32 v60, v44;
	v9 =	vsub.f32 v9, v61;
	v57 =	vld.idx.msk [tilespmem:v56+s8+$0x0], $0xffff;
	v0 =	vmul.f32 v48, v10  }
0xd7: {  	v61 =	vsub.f32 v53, v46;
	v56 =	vld.idx.msk [tilespmem:v56+s2+$0x0], $0xffff;
	v6 =	vmul.f32 v6, v6;
	v3 =	vmul.f32 v3, v51  }
0xd8: {  	v55 =	vld.idx.msk [tilespmem:v55+s8+$0x0], $0xffff;
	v1 =	vmul.f32 v1, v1;
	v46 =	vsub.f32 v47, v11;
	v0 =	vsub.f32 $1.500000000e+00, v0  }
0xd9: {  	v4 =	vadd.f32 v4, v6;
	v6 =	vld.idx.msk [tilespmem:v54+s2+$0x0], $0xffff;
	v51 =	vadd.s32 s16, v58;
	v59 =	vmul.f32 v3, v52  }
0xda: {  	vm4 =	vgt.s32 v39, $0xFFFFFFFF;
	v47 =	vsub.f32 v13, v45;
	v13 =	vmovc v21;
	v21 =	vmovc v30;
	v30 =	vld [tilespmem:$0x1FF20];
	v44 =	vmul.f32 v0, v10  }
0xdb: {  	vm4 =	vmand vm2, vm4;
	v9 =	vmul.f32 v9, v9;
	v10 =	vld.idx.msk [tilespmem:v54+s8+$0x0], $0xffff;
	v11 =	vmul.f32 v59, v3  }
0xdc: {  	v1 =	vadd.f32 v1, v4;
	v54 =	vmul.f32 v12, v12;
	v12 =	vld [tilespmem:$0x1FF70];
	v63 =	vmul.f32 v44, v63  }
0xdd: {  	p0 =	sne.s32 s15, $0x9DA0;
	v53 =	vmul.f32 v61, v61;
	v62 =	vmul.f32 v60, v60;
	v52 =	vld.idx.msk [tilespmem:v49+s2+$0x0], $0xffff;
	v11 =	vsub.f32 $1.500000000e+00, v11  }
.Ltmp2:
0xde: {  	v45 =	vsub.f32 v56, v57;
	v1 =	vadd.f32 v9, v1;
	v4 =	vmul.f32 v63, v44;
	v48 =	vld.idx.msk [tilespmem:v51+s8+$0x0], $0xffff;
	(pc) =	sbr.rel @p0 .LBB2_2-.Ltmp2, $4  }
0xdf: {  	v57 =	vmul.f32 v2, v2;
	v49 =	vsub.f32 v5, v55;
	v51 =	vld.idx.msk [tilespmem:v51+s2+$0x0], $0xffff;
	v3 =	vmul.f32 v11, v3  }
0xe0: {  	v9 =	vmovc v17;
	v17 =	vimm.f32 $1.000000000e+00;
	s30 =	spop (v2sf);
	v58 =	vadd.f32 v62, v1;
	v55 =	vsub.f32 $1.500000000e+00, v4;
	v4 =	vld [tilespmem:$0x1FF80]  }
0xe1: {  	s31 =	sadd.s32 s30, s14;
	[tilespmem:v33+s9+$0x0] =	vst.idx.msk vm2, v16;
	v16 =	vimm.f32 $0.0e+00;
	v11 =	vld [tilespmem:$0x1FF60];
	v56 =	vmul.f32 v3, v43;
	v43 =	vsub.f32 v6, v10  }
0xe2: {  	s15 =	sadd.s32 $0x1A0, s15;
	s14 =	sadd.s32 $0x80000000, s31;
	v10 =	vmovc v18;
	v18 =	vmovc v24;
	v24 =	vmov v28;
	v28 =	vmov v29;
	v6 =	vmov v19;
	v19 =	vld [tilespmem:$0x1FFA0]  }
0xe3: {  	v0 =	vadd.f32 v53, v58;
	_ =	sdelay $0x1  }
0xe4: {  	v0 =	vadd.f32 v54, v0;
	_ =	sdelay $0x1  }
0xe5: {  	v1 =	vmul.f32 v46, v46;
	v0 =	vadd.f32 v57, v0  }
0xe6: {  	v2 =	vadd.f32 v56, v56  }
0xe7: {  	v3 =	vmul.f32 v47, v47;
	v0 =	vadd.f32 v1, v0  }
0xe8: {  	v58 =	vmul.f32 v55, v44;
	v57 =	vsub.f32 v42, v2  }
0xe9: {  	v29 =	vsub.f32 v50, v40;
	v5 =	vmul.f32 v49, v49;
	v0 =	vadd.f32 v3, v0  }
0xea: {  	v2 =	vmul.f32 v58, v35;
	v1 =	vadd.f32 v57, v34  }
0xeb: {  	v3 =	vmul.f32 v29, v29;
	v0 =	vadd.f32 v5, v0  }
0xec: {  	v2 =	vadd.f32 v2, v2;
	v1 =	vadd.f32 v1, v32  }
0xed: {  	v29 =	vmul.f32 v43, v43;
	v0 =	vadd.f32 v3, v0  }
0xee: {  	v1 =	vsub.f32 v1, v2  }
0xef: {  	v5 =	vmul.f32 v45, v45;
	v3 =	vsub.f32 v51, v48;
	v0 =	vadd.f32 v29, v0  }
0xf0: {  	v62 =	vsub.f32 v52, v37;
	v1 =	vmul.f32 $5.000000000e+00, v1  }
0xf1: {  	v29 =	vmul.f32 v38, v38;
	v3 =	vmul.f32 v3, v3;
	v0 =	vadd.f32 v5, v0  }
0xf2: {  	v5 =	vmul.f32 v31, v31  }
0xf3: {  	v2 =	vmul.f32 v62, v62;
	v1 =	vadd.f32 v1, v29;
	v0 =	vadd.f32 v3, v0  }
0xf4: {  	v3 =	vnsel vm3, $0x0, v5  }
0xf5: {  	v1 =	vadd.f32 v1, v3;
	v0 =	vadd.f32 v2, v0;
	_ =	sdelay $0x1  }
0xf6: {  	v0 =	vadd.f32 v1, v0;
	_ =	sdelay $0x1  }
0xf7: {  	v0 =	vmul.f32 v0, v20;
	_ =	sdelay $0x1  }
0xf8: {  	v63 =	vmul.f32 $5.000000000e-01, v36;
	v0 =	vadd.f32 v0, v30;
	_ =	sdelay $0x1  }
0xf9: {  	v0 =	vadd.f32 v0, v63;
	_ =	sdelay $0x1  }
0xfa: {  	(xrf2) =	vadd.scan.msk.f32 $0xffff, v0;
	_ =	sdelay $0x9  }
0xfb: {  	v0, _, _ =	vpop (xrf2)  }
0xfc: {  	(v2sf) =	vpush v0, $0xF;
	_ =	sdelay $0x7  }
0xfd: {  	s15 =	sadd.s32 $0xE, s14  }
0xfe: {  	s19 =	sshra.s32 s15, $0x4  }
0xff: {  	p0 =	slt.s32 s19, $0x1  }
.Ltmp3:
0x100: {  	_ = 	snop;
	(pc) =	sbr.rel @p0 .LBB2_4-.Ltmp3, $4  }
0x101: {  	_ = 	snop  }
0x102: {  	v61 =	vld [tilespmem:$0x1FFD0]  }
0x103: {  	v60 =	vld [tilespmem:$0x1FFC0];
	[tilespmem:v33+s10+$0x0] =	vst.idx.msk vm2, v41  }
0x104: {  	v59 =	vld [tilespmem:$0x1FFB0];
	s16 =	sadd.s32 $0xFFFFFFFF, s14;
	[tilespmem:v39+s11+$0x0] =	vst.idx.msk vm4, v41;
	s15 =	spop (v2sf)  }
0x105: {  	s18 =	simm.s32 $0x13F00  }
0x106: {  	s17 =	simm.s32 $0x14C00;
	p0 =	sne.s32 s19, $0x1;
	v31 =	vld [tilespmem:s18+$0x0]  }
.Ltmp4:
0x107: {  	v32 =	vld [tilespmem:s17+$0x0];
	(pc) =	sbr.rel @!p0 .LBB2_7-.Ltmp4, $2  }
0x108: {  	_ =	sdelay $0x2  }
0x109: {  	v30 =	vmov s16;
	v29 =	vimm.f32 $0.0e+00;
	s19 =	sadd.s32 $0xFFFFFFFF, s19;
	s20 =	simm.s32 $0x13F10;
	v2 =	vlaneseq.u32;
	s18 =	simm.s32 $0x0  }
.LBB2_6:
0x10a: {  	v0 =	vor.u32 s18, v2;
	v1 =	vmul.f32 v32, v31;
	v31 =	vld [tilespmem:s20+$0x0];
	s17 =	sadd.s32 $0x10, s17;
	p0 =	sne.s32 s19, $0x1  }
.Ltmp5:
0x10b: {  	s19 =	sadd.s32 $0xFFFFFFFF, s19;
	v32 =	vld [tilespmem:s17+$0x0];
	vm2 =	vlt.s32 v0, v30;
	(pc) =	sbr.rel @p0 .LBB2_6-.Ltmp5, $3  }
0x10c: {  	v0 =	vnsel vm2, $0x0, v1  }
0x10d: {  	v29 =	vadd.f32 v0, v29;
	_ =	sdelay $0x1  }
0x10e: {  	s20 =	sadd.s32 $0x10, s20;
	s18 =	sadd.s32 $0x10, s18  }
.LBB2_7:
.Ltmp6:
0x10f: {  	v0 =	vor.u32 s18, v2;
	v1 =	vmul.f32 v32, v31;
	(pc) =	sbr.rel .LBB2_8-.Ltmp6, $3  }
0x110: {  	vm2 =	vlt.s32 v0, v30  }
0x111: {  	v0 =	vnsel vm2, $0x0, v1  }
0x112: {  	v29 =	vadd.f32 v0, v29;
	_ =	sdelay $0x1  }
.LBB2_9:
0x113: {  	_ =	sfence.sel $0x180000  }
0x114: {  	[bflag:$0x0] =	sbarrier.arrive $0xFFFF  }
0x115: {  	p0 =	sne.s32 s0, $0x0;
	_ =	strace $0x90000047  }
0x116: {  	s0 =	sadd.s32 @!p0 $0x100000, s1;
	[bflag:$0x2] =	sbarrier.arrive $0xFFFF  }
0x117: {  	[sflag:s0] =	ssyncadd.tile.s32 @!p0 $0x1;
	_ =	shalt  }
.Lfunc_end2:
_tile_overlayer_lowered:
.L_overlay_start_2:
0x118: {  	(tag) =	ssettag $0x2  }
0x119: {  	s0 =	rddreg [dreg:$0x0];
	s2 =	stileid.u32  }
0x11a: {  	s1 =	rddreg [dreg:$0x1];
	p0 =	sne.s32 s2, $0x0  }
0x11b: {  	s3 =	rddreg [dreg:$0x2];
	[bflag:$0x3] =	sbarrier.arrive $0xFFFF;
	s2 =	simm.s32 @!p0 $0x1C01  }
0x11c: {  	[timem:s3], [sflag:s2] =	dma.local @!p0 [hbm:s0], s1  }
0x11d: {  	s0 =	simm.s32 @!p0 $0x1  }
0x11e: {  	_ =	swait.ge @!p0 [sflag:s0], s1  }
0x11f: {  	s1 =	ssub.s32 @!p0 $0x0, s1;
	[sflag:s0] =	ssyncset.done @!p0 $0x0  }
0x120: {  	[sflag:s0] =	ssyncadd.s32 @!p0 s1  }
0x121: {  	[bflag:$0x3] =	sbarrier.arrive $0xFFFF  }
0x122: {  	_ =	shalt  }

// kernel: kernel.7.cloned.1.call-start
scs
__scs_entry_jumppad:
0x0: {  	(pc) =	sbr.rel $0x88, $3  }
0x1: {  	(tag) =	ssettag $0x0;
	lr =	simm.s32 $0x1  }
0x2: {  	[smem:$0x3F9F] =	sst lr;
	_ =	strace $0xD0000000  }
0x3: {  	_ = 	snop  }
0x4: {  	_ = 	snop  }
0x5: {  	_ = 	snop  }
0x6: {  	_ = 	snop  }
0x7: {  	_ = 	snop  }
__scs_overlays_trampoline_lowered:
0x8: {  	[smem:$0x3FAE] =	sst s0  }
0x9: {  	[smem:$0x3FAF] =	sst s1  }
0xa: {  	[smem:$0x3FB0] =	sst s2  }
0xb: {  	[smem:$0x3FB1] =	sst s3  }
0xc: {  	[smem:$0x3FB2] =	sst s4  }
0xd: {  	[smem:$0x3FB3] =	sst s5  }
0xe: {  	[smem:$0x3FB4] =	sst s6  }
0xf: {  	[smem:$0x3FB5] =	sst s7  }
0x10: {  	[smem:$0x3FB6] =	sst s8  }
0x11: {  	[smem:$0x3FB7] =	sst s9;
	s0 =	simm.s32 @!p0 $0x0  }
0x12: {  	s1 =	sld [smem:$0x3F9D];
	s0 =	simm.s32 @p0 $0x1  }
0x13: {  	[smem:$0x3FB8] =	sst s0;
	s0 =	simm.s32 @!p1 $0x0  }
0x14: {  	s2 =	sld [smem:$0x3F9C];
	s0 =	simm.s32 @p1 $0x1  }
0x15: {  	[smem:$0x3FB9] =	sst s0;
	s0 =	simm.s32 @!p2 $0x0  }
0x16: {  	s3 =	sld [smem:$0x3FDB];
	s0 =	simm.s32 @p2 $0x1  }
0x17: {  	s4 =	simm.s32 $0x1BF5;
	[smem:$0x3FBB] =	sst s0  }
0x18: {  	s0 =	sld [smem:$0x3F9E];
	_ =	swait.ge [sflag:s4], $0x0  }
0x19: {  	s7 =	sld [smem:$0x3F9F]  }
0x1a: {  	s8 =	sadd.s32 $0xFFFFE003, lr  }
0x1b: {  	s9 =	sadd.s32 $0xFFFFFEF7, lr;
	s5 =	simm.s32 $0xFFFFFFFF;
	p2 =	slt.u32 s8, $0xFFFFF086  }
0x1c: {  	p1 =	slt.u32 s9, $0xF7A;
	s5 =	simm.s32 @!p2 $0x0  }
0x1d: {  	s5 =	simm.s32 @p1 $0x1;
	p0 =	seq.s32 s7, s2  }
0x1e: {  	s7 =	smul.u32 @!p0 $0xF7A, s2;
	p2 =	seq.s32 @!p0 s5, $0x0  }
0x1f: {  	s9 =	smul.u32 $0xF7A, s1;
	s8 =	simm.s32 @!p0 $0x1BF5;
	p2 =	por !p2, p0  }
0x20: {  	[sflag:s8] =	ssyncset.s32 @!p0 $0xFFFFF086;
	s6 =	sadd.s32 @!p0 s3, s7;
	s7 =	simm.s32 @!p0 $0x108  }
0x21: {  	s3 =	sadd.s32 s3, s9;
	s6 =	sadd.s32 @!p0 $0x88, s6;
	s7 =	simm.s32 @p2 $0x1082  }
0x22: {  	[simem:s7], [sflag:s8] =	dma.local @!p0 [hbm:s6], $0xF7A  }
0x23: {  	s9 =	sor.u32 $0xD0000000, s2;
	s6 =	simm.s32 $0x108;
	_ =	swait.ge @!p0 [sflag:s8], $0x0  }
0x24: {  	s3 =	sadd.s32 $0x88, s3;
	s6 =	simm.s32 @!p1 $0x1082;
	[sflag:s4] =	ssyncset.s32 $0xFFFFF086  }
0x25: {  	[simem:s6], [sflag:s4] =	dma.local [hbm:s3], $0xF7A  }
0x26: {  	[smem:$0x3F9F] =	sst s1;
	(tag) =	ssettag s2;
	_ =	strace s9  }
0x27: {  	s1 =	sld [smem:$0x3FAF]  }
0x28: {  	s2 =	sld [smem:$0x3FB0]  }
0x29: {  	s4 =	sld [smem:$0x3FB2]  }
0x2a: {  	p0 =	seq.s32 s5, $0x0;
	s5 =	sld [smem:$0x3FB3]  }
0x2b: {  	s6 =	sld [smem:$0x3FB4]  }
0x2c: {  	s7 =	sld [smem:$0x3FB5]  }
0x2d: {  	s3 =	simm.s32 $0x108;
	s8 =	sld [smem:$0x3FB6]  }
0x2e: {  	s3 =	simm.s32 @!p0 $0x1082;
	s9 =	sld [smem:$0x3FB7]  }
0x2f: {  	lr =	sadd.s32 s0, s3;
	s0 =	sld [smem:$0x3FAE]  }
0x30: {  	s3 =	sld [smem:$0x3FB1]  }
0x31: {  	[smem:$0x3FBA] =	sst s10  }
0x32: {  	s10 =	sld [smem:$0x3FB8];
	_ =	sdelay $0x3  }
0x33: {  	p0 =	seq.s32 s10, $0x1;
	s10 =	sld [smem:$0x3FBA];
	_ =	sdelay $0x3  }
0x34: {  	[smem:$0x3FBA] =	sst s10  }
0x35: {  	s10 =	sld [smem:$0x3FB9];
	_ =	sdelay $0x3  }
0x36: {  	p1 =	seq.s32 s10, $0x1;
	s10 =	sld [smem:$0x3FBA];
	_ =	sdelay $0x3  }
0x37: {  	[smem:$0x3FBA] =	sst s10  }
0x38: {  	s10 =	sld [smem:$0x3FBB]  }
0x39: {  	_ = 	snop;
	(pc) =	sbr.ind lr, $3  }
0x3a: {  	_ = 	snop  }
0x3b: {  	_ = 	snop  }
0x3c: {  	p2 =	seq.s32 s10, $0x1;
	s10 =	sld [smem:$0x3FBA]  }
0x3d: {  	_ =	shalt  }
0x3e: {  	_ =	shalt  }
0x3f: {  	_ =	shalt  }
0x40: {  	_ =	shalt  }
0x41: {  	_ =	shalt  }
0x42: {  	_ =	shalt  }
0x43: {  	_ =	shalt  }
0x44: {  	_ =	shalt  }
0x45: {  	_ =	shalt  }
0x46: {  	_ =	shalt  }
0x47: {  	_ =	shalt  }
0x48: {  	_ =	shalt  }
0x49: {  	_ =	shalt  }
0x4a: {  	_ =	shalt  }
0x4b: {  	_ =	shalt  }
0x4c: {  	_ =	shalt  }
0x4d: {  	_ =	shalt  }
0x4e: {  	_ =	shalt  }
0x4f: {  	_ =	shalt  }
0x50: {  	_ =	shalt  }
0x51: {  	_ =	shalt  }
0x52: {  	_ =	shalt  }
0x53: {  	_ =	shalt  }
0x54: {  	_ =	shalt  }
0x55: {  	_ =	shalt  }
0x56: {  	_ =	shalt  }
0x57: {  	_ =	shalt  }
0x58: {  	_ =	shalt  }
0x59: {  	_ =	shalt  }
0x5a: {  	_ =	shalt  }
0x5b: {  	_ =	shalt  }
0x5c: {  	_ =	shalt  }
0x5d: {  	_ =	shalt  }
0x5e: {  	_ =	shalt  }
0x5f: {  	_ =	shalt  }
0x60: {  	_ =	shalt  }
0x61: {  	_ =	shalt  }
0x62: {  	_ =	shalt  }
0x63: {  	_ =	shalt  }
0x64: {  	_ =	shalt  }
0x65: {  	_ =	shalt  }
0x66: {  	_ =	shalt  }
0x67: {  	_ =	shalt  }
0x68: {  	_ =	shalt  }
0x69: {  	_ =	shalt  }
0x6a: {  	_ =	shalt  }
0x6b: {  	_ =	shalt  }
0x6c: {  	_ =	shalt  }
0x6d: {  	_ =	shalt  }
0x6e: {  	_ =	shalt  }
0x6f: {  	_ =	shalt  }
0x70: {  	_ =	shalt  }
0x71: {  	_ =	shalt  }
0x72: {  	_ =	shalt  }
0x73: {  	_ =	shalt  }
0x74: {  	_ =	shalt  }
0x75: {  	_ =	shalt  }
0x76: {  	_ =	shalt  }
0x77: {  	_ =	shalt  }
0x78: {  	_ =	shalt  }
0x79: {  	_ =	shalt  }
0x7a: {  	_ =	shalt  }
0x7b: {  	_ =	shalt  }
0x7c: {  	_ =	shalt  }
0x7d: {  	_ =	shalt  }
0x7e: {  	_ =	shalt  }
0x7f: {  	_ =	shalt  }
0x80: {  	_ =	shalt  }
0x81: {  	_ =	shalt  }
0x82: {  	_ =	shalt  }
0x83: {  	_ =	shalt  }
0x84: {  	_ =	shalt  }
0x85: {  	_ =	shalt  }
0x86: {  	_ =	shalt  }
0x87: {  	_ =	shalt  }
.Lfunc_end0:
.L_simem_size_0:
called_computation.1_lowered:
.L_overlay_start_0:
0x88: {  	s2 =	sld [smem:$0x3FD9]  }
0x89: {  	s3 =	sld [smem:$0x3FFE];
	_ =	sdelay $0x1  }
0x8a: {  	s1 =	srdreg.scid  }
0x8b: {  	s0 =	sand.u32 $0x1, s1  }
0x8c: {  	s17 =	sshll.u32 s0, $0xA;
	s2 =	sadd.s32 s3, s2  }
0x8d: {  	s2 =	sadd.s32 s2, s17  }
0x8e: {  	[smem:$0x3FC6] =	sst s2  }
0x8f: {  	_ = 	snop  }
0x90: {  	s2 =	sld [smem:$0x3FD0];
	(tm) =	ssettm $0x1  }
0x91: {  	s18 =	sld [smem:$0x3FFB];
	_ =	sdelay $0x3  }
0x92: {  	_ =	strace s18  }
0x93: {  	s3 =	sld [smem:$0x3FFC];
	_ =	sdelay $0x3  }
0x94: {  	_ =	strace s3  }
0x95: {  	s3 =	sld [smem:$0x3FFD];
	_ =	sdelay $0x3  }
0x96: {  	_ =	strace s3  }
0x97: {  	_ =	strace $0x8FFFFFFF  }
0x98: {  	s19 =	sld [smem:$0x3FDB];
	_ =	sdelay $0x1  }
0x99: {  	s4 =	simm.s32 $_scs_section_size  }
0x9a: {  	s5 =	simm.s32 $_size__tile_overlayer_lowered;
	s6 =	simm.s32 $_tile_overlayer_lowered  }
0x9b: {  	s22 =	simm.s32 $0x1BFF;
	s21 =	sshll.u32 s6, $0x1;
	s3 =	sadd.s32 s4, s19  }
0x9c: {  	s7 =	simm.s32 $0x0;
	s20 =	sshll.u32 s5, $0x1;
	s5 =	sadd.s32 s21, s3  }
0x9d: {  	[timem:s7], [sflag:s22] =	dma.local [hbm:s5], s20  }
0x9e: {  	_ =	swait.ge [sflag:s22], s20  }
0x9f: {  	s4 =	ssub.s32 $0x0, s20;
	[sflag:s22] =	ssyncset.done $0x0  }
0xa0: {  	[sflag:s22] =	ssyncadd.s32 s4;
	_ =	sdelay $0x1  }
0xa1: {  	s23 =	simm.s32 $0x1B8B  }
0xa2: {  	_ =	swait.ge [sflag:s23], $0x1  }
0xa3: {  	[sflag:s23] =	ssyncset.done $0x0  }
0xa4: {  	s25 =	simm.s32 $0x1B8E;
	s24 =	sld [smem:$0x3FFE];
	[sflag:s23] =	ssyncadd.s32 $0xFFFFFFFF  }
0xa5: {  	s26 =	simm.s32 $execute0_lowered;
	[smem:$0x3FD2] =	sst s25  }
0xa6: {  	s5 =	sshll.u32 s26, $0x1;
	_ =	strace $0x80000049;
	[dreg:$0x1] =	wrdreg $0xFFFFFFFF  }
0xa7: {  	s28 =	simm.s32 $_size_execute0_lowered;
	s3 =	sadd.s32 s3, s5;
	[dreg:$0x0] =	wrdreg $0x0  }
0xa8: {  	s5 =	sshll.u32 s28, $0x1;
	[dreg:$0x2] =	wrdreg s3  }
0xa9: {  	[dreg:$0x3] =	wrdreg s5  }
0xaa: {  	[dreg:$0x4] =	wrdreg $0xC0  }
0xab: {  	_ =	task [dreg:s7], $0x5FFFF  }
0xac: {  	[dreg:$0x1] =	wrdreg $0xFFFFFFFF  }
0xad: {  	[dreg:$0x0] =	wrdreg $0x60  }
0xae: {  	[dreg:$0x2] =	wrdreg s24  }
0xaf: {  	[dreg:$0x3] =	wrdreg s2  }
0xb0: {  	[dreg:$0x4] =	wrdreg $0x9  }
0xb1: {  	_ =	task.clear_ibuf [dreg:s7], $0x5FFFF;
	_ =	strace $0x90000049  }
0xb2: {  	s29 =	simm.s32 $0x9;
	_ =	strace $0x8000004B  }
0xb3: {  	_ =	swait.ge [sflag:s29], $0x1  }
0xb4: {  	[sflag:s29] =	ssyncadd.s32 $0xFFFFFFFF  }
0xb5: {  	_ =	strace $0x9000004B  }
0xb6: {  	_ =	sfence  }
0xb7: {  	s30 =	sld [smem:$0x0];
	_ =	sdelay $0x2  }
0xb8: {  	s31 =	sshll.u32 s1, $0xD;
	s1 =	sshrl.u32 s1, $0x2  }
0xb9: {  	s3 =	sand.u32 $0x4000, s31;
	s1 =	sadd.s32 s1, s30  }
0xba: {  	s0 =	sor.u32 s3, s0;
	s1 =	sshll.u32 s1, $0x11  }
0xbb: {  	s0 =	sor.u32 s1, s0  }
0xbc: {  	s0 =	sadd.s32 $0x8F2B, s0  }
0xbd: {  	[sflag:s0] =	ssyncadd.remote.s32 $0x1  }
0xbe: {  	_ =	sfence.sel $0xFFFF  }
0xbf: {  	[dreg:$0x0] =	wrdreg $0xFFFFFFFF;
	(pc) =	sbr.abs _section_cstart, $3  }
0xc0: {  	[dreg:$0x1] =	wrdreg $0xFFFFFFFF  }
0xc1: {  	_ =	task.clear_ibuf [dreg:s7], $0x2FFFF;
	_ =	strace $0x9FFFFFFF  }
0xc2: {  	(tm) =	ssettm $0x7FFFFFFF  }
0xc3: {  	_ =	shalt  }
tec
execute0_lowered:
.L_overlay_start_1:
0x0: {  	(tag) =	ssettag $0x1  }
0x1: {  	s0 =	srdreg.scid  }
0x2: {  	s4 =	sand.u32 $0x1, s0;
	s0 =	stileid.u32  }
0x3: {  	s5 =	sshll.u32 s0, $0x1;
	s6 =	ssub.s32 $0x0, s4  }
0x4: {  	p0 =	sne.s32 s5, s6  }
.Ltmp0:
0x5: {  	_ = 	snop;
	(pc) =	sbr.rel @p0 .LBB2_5-.Ltmp0, $4  }
0x6: {  	_ = 	snop  }
0x7: {  	s3 =	rddreg [dreg:$0x0]  }
0x8: {  	s2 =	rddreg [dreg:$0x1]  }
0x9: {  	s1 =	rddreg [dreg:$0x2];
	_ =	strace $0x8000004A  }
0xa: {  	s4 =	ssub.s32 $0x2, s4  }
0xb: {  	s3 =	sadd.s32 $0x50400, s3;
	s5 =	sshrl.u32 s4, $0x1  }
0xc: {  	s6 =	simm.s32 $0x1;
	s7 =	simm.s32 $0x1000;
	s4 =	ssub.s32 s4, s5  }
0xd: {  	vm0 =	vcmask $0x300;
	s8 =	simm.s32 $0x0;
	s5 =	simm.s32 $0x0;
	s4 =	smax.u32 s4, $0x1  }
.LBB2_2:
0xe: {  	[tilespmem:s5], [sflag:$0x1] =	stream.linear.gather [hbm4b:s3+s5], $0x1000, $0x38;
	[tilespmem:$0x1080] =	vst v63  }
0xf: {  	_ =	swait.ge [sflag:s6], $0x1000  }
0x10: {  	[sflag:s6] =	ssyncset.done $0x0  }
0x11: {  	s9 =	simm.s32 $0x0;
	[sflag:s6] =	ssyncadd.s32 $0xFFFFF000  }
0x12: {  	v0 =	vld [tilespmem:s9+$0x0];
	_ =	sdelay $0x4  }
0x13: {  	(v2sf) =	vpush v0, $0x1  }
0x14: {  	(v2sf) =	vpush v0, $0x0  }
0x15: {  	(v2sf) =	vpush v0, $0x2;
	_ =	sdelay $0x2  }
0x16: {  	(v2sf) =	vpush v0, $0x3  }
0x17: {  	s29 =	simm.s32 $0x80  }
0x18: {  	v1 =	vld [tilespmem:s29+$0x0];
	_ =	sdelay $0x4  }
0x19: {  	(v2sf) =	vpush v1, $0x1  }
0x1a: {  	s10 =	simm.s32 $0x100  }
0x1b: {  	v2 =	vld [tilespmem:s10+$0x0]  }
0x1c: {  	s11 =	spop (v2sf);
	(v2sf) =	vpush v1, $0x0  }
0x1d: {  	s13 =	spop (v2sf);
	(v2sf) =	vpush v1, $0x2  }
0x1e: {  	s14 =	spop (v2sf);
	(v2sf) =	vpush v1, $0x3  }
0x1f: {  	s9 =	simm.f32 $0.0e+00  }
0x20: {  	s12 =	ssub.f32 $1.000000000e+00, s9;
	(v2sf) =	vpush v2, $0x1  }
0x21: {  	s30 =	smul.f32 s11, s9;
	s15 =	spop (v2sf);
	(v2sf) =	vpush v2, $0x0  }
0x22: {  	s12 =	smul.f32 s11, s12;
	(v2sf) =	vpush v2, $0x2  }
0x23: {  	s10 =	smul.f32 s30, s9;
	(v2sf) =	vpush v2, $0x3  }
0x24: {  	s12 =	smul.f32 s12, s14;
	s31 =	ssub.f32 s15, s9  }
0x25: {  	s13 =	sadd.f32 s13, s9;
	s10 =	smul.f32 s10, s14  }
0x26: {  	s16 =	simm.s32 $0x180;
	s15 =	smul.f32 s31, s11  }
0x27: {  	v0 =	vld [tilespmem:s16+$0x0];
	s11 =	smax.f32 s9, s11;
	s13 =	sadd.f32 s10, s13  }
0x28: {  	s14 =	simm.s32 $0x800;
	s10 =	sadd.f32 s12, s9;
	s12 =	spop (v2sf)  }
.LBB2_3:
0x29: {  	s16 =	smul.f32 s12, s11;
	s9 =	sadd.f32 s15, s9  }
0x2a: {  	p0 =	sne.s32 s14, $0x3E00;
	s15 =	ssub.f32 $1.000000000e+00, s11  }
0x2b: {  	s17 =	spop (v2sf);
	s16 =	smul.f32 s16, s9  }
0x2c: {  	(v2sf) =	vpush v0, $0x1;
	s18 =	spop (v2sf);
	s15 =	smul.f32 s12, s15  }
0x2d: {  	s19 =	spop (v2sf);
	s16 =	smul.f32 s16, s18  }
.Ltmp1:
0x2e: {  	s13 =	sadd.f32 s17, s13;
	(v2sf) =	vpush v0, $0x0;
	(pc) =	sbr.rel @p0 .LBB2_3-.Ltmp1, $4  }
0x2f: {  	s17 =	sshra.s32 s14, $0x2;
	s15 =	smul.f32 s15, s18;
	s18 =	ssub.f32 s19, s9;
	(v2sf) =	vpush v0, $0x2  }
0x30: {  	(v2sf) =	vpush v0, $0x3;
	v0 =	vld [tilespmem:s17+$0x0];
	s13 =	sadd.f32 s16, s13  }
0x31: {  	s10 =	sadd.f32 s15, s10;
	s15 =	smul.f32 s18, s12  }
0x32: {  	s11 =	smax.f32 s11, s12;
	s14 =	sadd.s32 $0x200, s14;
	s12 =	spop (v2sf)  }
0x33: {  	_ =	sdelay $0x1  }
0x34: {  	s14 =	smul.f32 s12, s11;
	s9 =	sadd.f32 s15, s9;
	(v2sf) =	vpush v0, $0x1  }
0x35: {  	s26 =	ssub.f32 $1.000000000e+00, s11;
	s16 =	spop (v2sf);
	(v2sf) =	vpush v0, $0x0  }
0x36: {  	s31 =	smax.f32 s11, s12;
	s17 =	spop (v2sf);
	(v2sf) =	vpush v0, $0x2  }
0x37: {  	s14 =	smul.f32 s14, s9;
	s18 =	spop (v2sf);
	(v2sf) =	vpush v0, $0x3  }
0x38: {  	s13 =	sadd.f32 s16, s13;
	s15 =	smul.f32 s12, s26  }
0x39: {  	s28 =	ssub.f32 s18, s9;
	s14 =	smul.f32 s14, s17  }
0x3a: {  	s16 =	ssub.f32 $1.000000000e+00, s31;
	s15 =	smul.f32 s15, s17  }
0x3b: {  	s29 =	smul.f32 s28, s12;
	s13 =	sadd.f32 s14, s13  }
0x3c: {  	s10 =	sadd.f32 s15, s10  }
0x3d: {  	s9 =	sadd.f32 s29, s9;
	s30 =	spop (v2sf)  }
0x3e: {  	s12 =	smul.f32 s30, s31;
	s17 =	spop (v2sf)  }
0x3f: {  	s11 =	smax.f32 s31, s30;
	s19 =	spop (v2sf)  }
0x40: {  	s25 =	ssub.f32 $1.000000000e+00, s11;
	s20 =	spop (v2sf)  }
0x41: {  	s14 =	smul.f32 s30, s16;
	s18 =	ssub.f32 s20, s9  }
0x42: {  	s12 =	smul.f32 s12, s9;
	s13 =	sadd.f32 s17, s13  }
0x43: {  	s21 =	smul.f32 s18, s30;
	s22 =	spop (v2sf)  }
0x44: {  	s14 =	smul.f32 s14, s19;
	s23 =	spop (v2sf)  }
0x45: {  	s9 =	sadd.f32 s21, s9;
	s24 =	spop (v2sf)  }
0x46: {  	s12 =	smul.f32 s12, s19;
	s19 =	spop (v2sf)  }
0x47: {  	s20 =	smul.f32 s22, s11;
	s19 =	ssub.f32 s19, s9  }
0x48: {  	s10 =	sadd.f32 s14, s10;
	s26 =	smul.f32 s22, s25  }
0x49: {  	s12 =	sadd.f32 s12, s13;
	s28 =	smul.f32 s19, s22  }
0x4a: {  	s11 =	smax.f32 s11, s22;
	s29 =	smul.f32 s20, s9  }
0x4b: {  	s13 =	smul.f32 s26, s24;
	s9 =	sadd.f32 s28, s9  }
0x4c: {  	s12 =	sadd.f32 s23, s12;
	s30 =	smul.f32 s29, s24  }
0x4d: {  	s10 =	sadd.f32 s13, s10;
	s9 =	smul.f32 s9, s11  }
0x4e: {  	_ = 	snop  }
0x4f: {  	s31 =	sadd.f32 s30, s12;
	s9 =	smul.f32 s9, s10  }
0x50: {  	_ = 	snop  }
0x51: {  	s9 =	sadd.f32 s9, s31;
	_ =	sdelay $0x1  }
0x52: {  	s9 =	smul.f32 $9.765625000e-04, s9;
	_ =	sdelay $0x1  }
0x53: {  	s8 =	sadd.s32 $0x1, s8;
	v63 =	vmov s9  }
0x54: {  	p0 =	sne.s32 s8, s4;
	v0 =	vnsel vm0, $0x0, v63  }
.Ltmp2:
0x55: {  	[tilespmem:$0x1000] =	vst v0;
	(pc) =	sbr.rel @p0 .LBB2_2-.Ltmp2, $4  }
0x56: {  	[hbm4b:s2+s5] =	stream.linear.scatter [tilespmem:s7], [sflag:$0x1], $0x80, $0x38;
	[tilespmem:$0x1080] =	vst v63  }
0x57: {  	_ =	swait.ge [sflag:s6], $0x80  }
0x58: {  	[sflag:s6] =	ssyncset.done $0x0  }
0x59: {  	[sflag:s6] =	ssyncadd.s32 $0xFFFFFF80  }
.LBB2_5:
0x5a: {  	_ =	sfence.sel $0x180000  }
0x5b: {  	[bflag:$0x0] =	sbarrier.arrive $0xFFFF  }
0x5c: {  	p0 =	sne.s32 s0, $0x0;
	_ =	strace $0x9000004A  }
0x5d: {  	s0 =	sadd.s32 @!p0 $0x100000, s1;
	[bflag:$0x2] =	sbarrier.arrive $0xFFFF  }
0x5e: {  	[sflag:s0] =	ssyncadd.tile.s32 @!p0 $0x1;
	_ =	shalt  }
.Lfunc_end2:
_tile_overlayer_lowered:
.L_overlay_start_2:
0x5f: {  	(tag) =	ssettag $0x2  }
0x60: {  	s0 =	rddreg [dreg:$0x0];
	s2 =	stileid.u32  }
0x61: {  	s1 =	rddreg [dreg:$0x1];
	p0 =	sne.s32 s2, $0x0  }
0x62: {  	s3 =	rddreg [dreg:$0x2];
	[bflag:$0x3] =	sbarrier.arrive $0xFFFF;
	s2 =	simm.s32 @!p0 $0x1C01  }
0x63: {  	[timem:s3], [sflag:s2] =	dma.local @!p0 [hbm:s0], s1  }
0x64: {  	s0 =	simm.s32 @!p0 $0x1  }
0x65: {  	_ =	swait.ge @!p0 [sflag:s0], s1  }
0x66: {  	s1 =	ssub.s32 @!p0 $0x0, s1;
	[sflag:s0] =	ssyncset.done @!p0 $0x0  }
0x67: {  	[sflag:s0] =	ssyncadd.s32 @!p0 s1  }
0x68: {  	[bflag:$0x3] =	sbarrier.arrive $0xFFFF  }
0x69: {  	_ =	shalt  }

</sc_bundles>
